<compile_context>
chip_gen: v7x
topology: tpu7x:2x2x1
jax: 0.10.2.dev20260603
libtpu: 0.0.44.dev20260713+nightly
codegen_flags: <defaults>
</compile_context>

<pallas_src>
import functools

import jax
import jax.numpy as jnp
from jax import lax
from jax.experimental import pallas as pl
from jax.experimental.pallas import tpu as pltpu
from jax.experimental.pallas import tpu_sc as plsc

N_NODES = 10000
N_EDGES = 320000
D_FEAT = 128
EMB = 128
HIDDEN = 256
ACTIONS = 1000
N_GRAPHS = 10
NODES_PER_GRAPH = 1000

NC = 2
NS = 16
NW = NC * NS

K = 128
NCH = 80
ET_P = NCH * K
PAD_E = ET_P * NW
DUMP = N_NODES
ACC_N = 10112
ROWS_PER_TILE = ACC_N // NS


def _sc_segment_sum(with_counts):
    mesh = plsc.VectorSubcoreMesh(core_axis_name="c", subcore_axis_name="s")
    out_type = [jax.ShapeDtypeStruct((NC, ACC_N, D_FEAT), jnp.float32)]
    scratch = [
        [pltpu.VMEM((K,), jnp.int32) for _ in range(2)],
        [pltpu.VMEM((K,), jnp.int32) for _ in range(2)],
        pltpu.VMEM((K, D_FEAT), jnp.float32),
        pltpu.VMEM_SHARED((ACC_N, D_FEAT), jnp.float32),
        pltpu.SemaphoreType.DMA,
    ]
    if with_counts:
        out_type.append(jax.ShapeDtypeStruct((NC, NS, ACC_N), jnp.float32))
        scratch += [
            pltpu.VMEM((ACC_N,), jnp.float32),
        ]

    @functools.partial(pl.kernel, mesh=mesh, out_type=out_type,
                       scratch_types=scratch,
                       compiler_params=pltpu.CompilerParams(
                           needs_layout_passes=False))
    def body(feats, src, dst, zrows, zcnt, *rest):
        if with_counts:
            out, cnt_out, srcb, dstb, rows, acc, sem, cntl = rest
        else:
            out, srcb, dstb, rows, acc, sem = rest
        c = lax.axis_index("c")
        s = lax.axis_index("s")
        wid = c * NS + s

        rbase = s * ROWS_PER_TILE
        pltpu.sync_copy(zrows.at[pl.ds(rbase, ROWS_PER_TILE)],
                        acc.at[pl.ds(rbase, ROWS_PER_TILE)])
        if with_counts:
            pltpu.sync_copy(zcnt, cntl)
        plsc.subcore_barrier()

        ones16 = jnp.full((16,), 1.0, jnp.float32)
        ebase = wid * ET_P

        pltpu.sync_copy(src.at[pl.ds(ebase, K)], srcb[0])
        pltpu.sync_copy(dst.at[pl.ds(ebase, K)], dstb[0])

        def outer(t, carry):
            for u in range(2):
                j = t * 2 + u
                d = pltpu.async_copy(feats.at[srcb[u]], rows, sem)

                @pl.when(j + 1 < NCH)
                def _():
                    base = ebase + (j + 1) * K
                    pltpu.sync_copy(src.at[pl.ds(base, K)], srcb[1 - u])
                    pltpu.sync_copy(dst.at[pl.ds(base, K)], dstb[1 - u])

                d.wait()
                pltpu.sync_copy(rows, acc.at[dstb[u]], add=True)
                if with_counts:
                    for jj in range(K // 16):
                        dv = dstb[u][pl.ds(jj * 16, 16)]
                        plsc.addupdate_scatter(cntl, [dv], ones16)
            return carry

        lax.fori_loop(0, NCH // 2, outer, 0)

        if with_counts:
            pltpu.sync_copy(cntl, cnt_out.at[c, s])
        plsc.subcore_barrier()

        pltpu.sync_copy(acc.at[pl.ds(rbase, ROWS_PER_TILE)],
                        out.at[c, pl.ds(rbase, ROWS_PER_TILE)])

    return body


_sc_pass1 = _sc_segment_sum(with_counts=True)
_sc_pass2 = _sc_segment_sum(with_counts=False)


def _conv1_body(p0, p1, cp, x, wl, wr, b, out, m1):
    cnt = jnp.maximum(jnp.sum(cp[...], axis=0), 1.0)
    aggr = (p0[...] + p1[...]) / cnt
    res = (jnp.dot(aggr, wl[...], preferred_element_type=jnp.float32)
           + jnp.dot(x[...], wr[...], preferred_element_type=jnp.float32)
           + b[...][None, :])
    out[...] = res
    m1[...] = jnp.mean(res, axis=0, keepdims=True)[None]


def _tail_body(p0, p1, cp, m1, w2l, w2r, b2, wf1, bf1, wf2, bf2, q,
               m2acc):
    g = pl.program_id(0)
    cnt = jnp.maximum(jnp.sum(cp[...], axis=0), 1.0)
    aggr = (p0[...] + p1[...]) / cnt
    m2acc[pl.ds(g, 1), :] = jnp.mean(aggr, axis=0, keepdims=True)

    @pl.when(g == N_GRAPHS - 1)
    def _():
        m2 = m2acc[:N_GRAPHS]
        me = (jnp.dot(m2, w2l[...], preferred_element_type=jnp.float32)
              + jnp.dot(m1[...], w2r[...], preferred_element_type=jnp.float32)
              + b2[...][None, :])
        h = jnp.maximum(
            jnp.dot(me, wf1[...], preferred_element_type=jnp.float32)
            + bf1[...][None, :], 0.0)
        q[...] = (jnp.dot(h, wf2[...], preferred_element_type=jnp.float32)
                  + bf2[...][None, :])


def kernel(x, edge_index, W1l, W1r, b1, W2l, W2r, b2, Wf1, bf1, Wf2, bf2):
    src = edge_index[0].astype(jnp.int32)
    dst = edge_index[1].astype(jnp.int32)
    pad = PAD_E - N_EDGES
    src_p = jnp.concatenate([src, jnp.zeros((pad,), jnp.int32)])
    dst_p = jnp.concatenate([dst, jnp.full((pad,), DUMP, jnp.int32)])
    zrows = jnp.zeros((ACC_N, D_FEAT), jnp.float32)
    zcnt = jnp.zeros((ACC_N,), jnp.float32)

    p, cnt_p = _sc_pass1(x, src_p, dst_p, zrows, zcnt)
    cnt3 = cnt_p.reshape(NW, ACC_N, 1)

    B = NODES_PER_GRAPH
    row_blk = lambda i: (i, 0)
    cnt_blk = lambda i: (0, i, 0)
    full2 = lambda i: (0, 0)
    conv1, m1 = pl.pallas_call(
        _conv1_body,
        grid=(N_GRAPHS,),
        in_specs=[
            pl.BlockSpec((B, D_FEAT), row_blk),
            pl.BlockSpec((B, D_FEAT), row_blk),
            pl.BlockSpec((NW, B, 1), cnt_blk),
            pl.BlockSpec((B, D_FEAT), row_blk),
            pl.BlockSpec((D_FEAT, EMB), full2),
            pl.BlockSpec((D_FEAT, EMB), full2),
            pl.BlockSpec((EMB,), lambda i: (0,)),
        ],
        out_specs=[
            pl.BlockSpec((B, EMB), row_blk),
            pl.BlockSpec((1, 1, EMB), lambda i: (i, 0, 0)),
        ],
        out_shape=[
            jax.ShapeDtypeStruct((N_NODES, EMB), jnp.float32),
            jax.ShapeDtypeStruct((N_GRAPHS, 1, EMB), jnp.float32),
        ],
    )(p[0], p[1], cnt3, x, W1l, W1r, b1)
    m1 = m1.reshape(N_GRAPHS, EMB)

    q = _sc_pass2(conv1, src_p, dst_p, zrows, zcnt)[0]

    full_blk = lambda a: pl.BlockSpec(a.shape, lambda i: (0,) * a.ndim)
    q_values = pl.pallas_call(
        _tail_body,
        grid=(N_GRAPHS,),
        in_specs=[
            pl.BlockSpec((B, EMB), row_blk),
            pl.BlockSpec((B, EMB), row_blk),
            pl.BlockSpec((NW, B, 1), cnt_blk),
            full_blk(m1), full_blk(W2l), full_blk(W2r), full_blk(b2),
            full_blk(Wf1), full_blk(bf1), full_blk(Wf2), full_blk(bf2),
        ],
        out_specs=pl.BlockSpec((N_GRAPHS, ACTIONS), lambda i: (0, 0)),
        out_shape=jax.ShapeDtypeStruct((N_GRAPHS, ACTIONS), jnp.float32),
        scratch_shapes=[pltpu.VMEM((16, EMB), jnp.float32)],
    )(q[0], q[1], cnt3, m1, W2l, W2r, b2, Wf1, bf1, Wf2, bf2)
    return q_values

# --- scband reference (transcript-rebuilt; emitter-appended) ---
"""Pipeline reference for scband-graph-sage-dqn-3083786518763 (READ-ONLY COPY).

The authoritative reference and input builder live on the scoring server;
editing this copy changes nothing except your own understanding.
"""

import jax, jax.numpy as jnp
import numpy as np

N_NODES = 10000
N_EDGES = 320000
D_FEAT = 128
EMB = 128
HIDDEN = 256
ACTIONS = 1000
N_GRAPHS = 10
NODES_PER_GRAPH = 1000


def setup_inputs(seed: int = 0) -> dict:
    key = jax.random.key(seed)
    ks = [jax.random.fold_in(key, i) for i in range(16)]
    x = jax.random.normal(ks[0], (N_NODES, D_FEAT), dtype=jnp.float32)
    edge_index = jax.random.randint(ks[1], (2, N_EDGES), 0, N_NODES, dtype=jnp.int64)
    def glorot(k, shape):
        fan_in, fan_out = shape[0], shape[1]
        lim = jnp.sqrt(6.0 / (fan_in + fan_out))
        return jax.random.uniform(k, shape, dtype=jnp.float32, minval=-lim, maxval=lim)
    W1l = glorot(ks[2], (D_FEAT, EMB))
    W1r = glorot(ks[3], (D_FEAT, EMB))
    b1 = jnp.zeros((EMB,), dtype=jnp.float32)
    W2l = glorot(ks[4], (EMB, EMB))
    W2r = glorot(ks[5], (EMB, EMB))
    b2 = jnp.zeros((EMB,), dtype=jnp.float32)
    Wf1 = glorot(ks[6], (EMB, HIDDEN))
    bf1 = jnp.zeros((HIDDEN,), dtype=jnp.float32)
    Wf2 = glorot(ks[7], (HIDDEN, ACTIONS))
    bf2 = jnp.zeros((ACTIONS,), dtype=jnp.float32)
    return {"x": x, "edge_index": edge_index, "W1l": W1l, "W1r": W1r, "b1": b1,
            "W2l": W2l, "W2r": W2r, "b2": b2, "Wf1": Wf1, "bf1": bf1,
            "Wf2": Wf2, "bf2": bf2}


def _sage_conv(h, edge_index, Wl, Wr, b):
    # PyG SAGEConv with mean aggregation:
    # out = lin_l(mean_{j in N(i)} x_j) + lin_r(x_i)
    src = edge_index[0]
    dst = edge_index[1]
    msg = jnp.take(h, src, axis=0)
    summed = jax.ops.segment_sum(msg, dst, num_segments=h.shape[0])
    cnt = jax.ops.segment_sum(jnp.ones((edge_index.shape[1],), dtype=h.dtype), dst,
                              num_segments=h.shape[0])
    aggr = summed / jnp.maximum(cnt, 1.0)[:, None]
    return aggr @ Wl + h @ Wr + b


def reference(x, edge_index, W1l, W1r, b1, W2l, W2r, b2, Wf1, bf1, Wf2, bf2):
    conv1_res = _sage_conv(x, edge_index, W1l, W1r, b1)
    conv2_res = _sage_conv(conv1_res, edge_index, W2l, W2r, b2)
    grouped = conv2_res.reshape(N_GRAPHS, NODES_PER_GRAPH, EMB)
    mean_embeddings = jnp.mean(grouped, axis=1)
    h = jax.nn.relu(mean_embeddings @ Wf1 + bf1)
    q_values = h @ Wf2 + bf2
    return q_values

if __name__ == "__main__":
    import jax
    _d = setup_inputs()
    print(jax.jit(kernel)(*tuple(_d.values())))

</pallas_src>

<mosaic_0001>
#map = affine_map<(d0, d1) -> (0, 0)>
#map1 = affine_map<(d0, d1) -> (0)>
#map2 = affine_map<(d0, d1) -> (0, 0, 0)>
module attributes {stable_mosaic.version = 14 : i64} {
  func.func @body(%arg0: i32, %arg1: i32, %arg2: memref<10000x128xf32, #tpu.memory_space<hbm>>, %arg3: memref<327680xi32, #tpu.memory_space<hbm>>, %arg4: memref<327680xi32, #tpu.memory_space<hbm>>, %arg5: memref<10112x128xf32, #tpu.memory_space<hbm>>, %arg6: memref<10112xf32, #tpu.memory_space<hbm>>, %arg7: memref<2x10112x128xf32, #tpu.memory_space<hbm>>, %arg8: memref<2x16x10112xf32, #tpu.memory_space<hbm>>, %arg9: memref<128xi32, #tpu.memory_space<vmem>>, %arg10: memref<128xi32, #tpu.memory_space<vmem>>, %arg11: memref<128xi32, #tpu.memory_space<vmem>>, %arg12: memref<128xi32, #tpu.memory_space<vmem>>, %arg13: memref<128x128xf32, #tpu.memory_space<vmem>>, %arg14: memref<10112x128xf32, #tpu.memory_space<vmem_shared>>, %arg15: memref<!tpu.dma_semaphore, #tpu.memory_space<semaphore_mem>>, %arg16: memref<10112xf32, #tpu.memory_space<vmem>>) attributes {dimension_semantics = [#tpu.dimension_semantics<core_parallel>, #tpu.dimension_semantics<subcore_parallel>], iteration_bounds = array<i64: 2, 16>, scalar_prefetch = 0 : i64, scratch_operands = 8 : i64, tpu.core_type = #tpu.core_type<sc_vector_subcore>, window_params = [{transform_indices = #map}, {transform_indices = #map1}, {transform_indices = #map1}, {transform_indices = #map}, {transform_indices = #map1}, {transform_indices = #map2}, {transform_indices = #map2}]} {
    %mul3A = arith.constant 16 : i32
    %mul3A_0 = arith.muli %arg0, %mul3A : i32
    %add3A = arith.addi %mul3A_0, %arg1 : i32
    %mul3A_1 = arith.constant 632 : i32
    %mul3A_2 = arith.muli %arg1, %mul3A_1 : i32
    "tpu.region"() ({
      %run_scoped3A = tpu.sem_alloc : memref<!tpu.dma_semaphore, #tpu.memory_space<semaphore_mem>>
      %dma_start3A = arith.constant 0 : i32
      %dma_start3A_12 = tpu.memref_slice %arg14[%mul3A_2, %dma_start3A] : memref<10112x128xf32, #tpu.memory_space<vmem_shared>> -> memref<632x128xf32, #tpu.memory_space<vmem_shared>>
      %dma_start3A_13 = arith.constant 0 : i32
      %dma_start3A_14 = tpu.memref_slice %arg5[%mul3A_2, %dma_start3A_13] : memref<10112x128xf32, #tpu.memory_space<hbm>> -> memref<632x128xf32, #tpu.memory_space<hbm>>
      tpu.enqueue_dma source(%dma_start3A_14 : memref<632x128xf32, #tpu.memory_space<hbm>>) target(%dma_start3A_12 : memref<632x128xf32, #tpu.memory_space<vmem_shared>>) target_semaphore(%run_scoped3A : memref<!tpu.dma_semaphore, #tpu.memory_space<semaphore_mem>>)
      %dma_wait3A = arith.constant 0 : i32
      %dma_wait3A_15 = tpu.memref_slice %arg14[%mul3A_2, %dma_wait3A] : memref<10112x128xf32, #tpu.memory_space<vmem_shared>> -> memref<632x128xf32, #tpu.memory_space<vmem_shared>>
      %dma_wait3A_16 = arith.constant 0 : i32
      %dma_wait3A_17 = tpu.memref_slice %arg5[%mul3A_2, %dma_wait3A_16] : memref<10112x128xf32, #tpu.memory_space<hbm>> -> memref<632x128xf32, #tpu.memory_space<hbm>>
      tpu.wait_dma2 semaphore(%run_scoped3A : memref<!tpu.dma_semaphore, #tpu.memory_space<semaphore_mem>>) src(%dma_wait3A_17 : memref<632x128xf32, #tpu.memory_space<hbm>>) dst(%dma_wait3A_15 : memref<632x128xf32, #tpu.memory_space<vmem_shared>>)
      tpu.yield
    }) : () -> ()
    "tpu.region"() ({
      %run_scoped3A = tpu.sem_alloc : memref<!tpu.dma_semaphore, #tpu.memory_space<semaphore_mem>>
      tpu.enqueue_dma source(%arg6 : memref<10112xf32, #tpu.memory_space<hbm>>) target(%arg16 : memref<10112xf32, #tpu.memory_space<vmem>>) target_semaphore(%run_scoped3A : memref<!tpu.dma_semaphore, #tpu.memory_space<semaphore_mem>>)
      tpu.wait_dma2 semaphore(%run_scoped3A : memref<!tpu.dma_semaphore, #tpu.memory_space<semaphore_mem>>) src(%arg6 : memref<10112xf32, #tpu.memory_space<hbm>>) dst(%arg16 : memref<10112xf32, #tpu.memory_space<vmem>>)
      tpu.yield
    }) : () -> ()
    %barrier3A = arith.constant 0 : index
    tpu.barrier barrier_id(%barrier3A)
    %broadcast_in_dim3A = arith.constant 1.000000e+00 : f32
    %broadcast_in_dim3A_3 = vector.broadcast %broadcast_in_dim3A : f32 to vector<16xf32>
    %mul3A_4 = arith.constant 10240 : i32
    %mul3A_5 = arith.muli %add3A, %mul3A_4 : i32
    "tpu.region"() ({
      %run_scoped3A = tpu.sem_alloc : memref<!tpu.dma_semaphore, #tpu.memory_space<semaphore_mem>>
      %dma_start3A = tpu.memref_slice %arg3[%mul3A_5] : memref<327680xi32, #tpu.memory_space<hbm>> -> memref<128xi32, #tpu.memory_space<hbm>>
      %dma_start3A_12 = tpu.memref_slice %arg3[%mul3A_5] : memref<327680xi32, #tpu.memory_space<hbm>> -> memref<128xi32, #tpu.memory_space<hbm>>
      tpu.enqueue_dma source(%dma_start3A_12 : memref<128xi32, #tpu.memory_space<hbm>>) target(%arg9 : memref<128xi32, #tpu.memory_space<vmem>>) target_semaphore(%run_scoped3A : memref<!tpu.dma_semaphore, #tpu.memory_space<semaphore_mem>>)
      %dma_wait3A = tpu.memref_slice %arg3[%mul3A_5] : memref<327680xi32, #tpu.memory_space<hbm>> -> memref<128xi32, #tpu.memory_space<hbm>>
      %dma_wait3A_13 = tpu.memref_slice %arg3[%mul3A_5] : memref<327680xi32, #tpu.memory_space<hbm>> -> memref<128xi32, #tpu.memory_space<hbm>>
      tpu.wait_dma2 semaphore(%run_scoped3A : memref<!tpu.dma_semaphore, #tpu.memory_space<semaphore_mem>>) src(%dma_wait3A_13 : memref<128xi32, #tpu.memory_space<hbm>>) dst(%arg9 : memref<128xi32, #tpu.memory_space<vmem>>)
      tpu.yield
    }) : () -> ()
    "tpu.region"() ({
      %run_scoped3A = tpu.sem_alloc : memref<!tpu.dma_semaphore, #tpu.memory_space<semaphore_mem>>
      %dma_start3A = tpu.memref_slice %arg4[%mul3A_5] : memref<327680xi32, #tpu.memory_space<hbm>> -> memref<128xi32, #tpu.memory_space<hbm>>
      %dma_start3A_12 = tpu.memref_slice %arg4[%mul3A_5] : memref<327680xi32, #tpu.memory_space<hbm>> -> memref<128xi32, #tpu.memory_space<hbm>>
      tpu.enqueue_dma source(%dma_start3A_12 : memref<128xi32, #tpu.memory_space<hbm>>) target(%arg11 : memref<128xi32, #tpu.memory_space<vmem>>) target_semaphore(%run_scoped3A : memref<!tpu.dma_semaphore, #tpu.memory_space<semaphore_mem>>)
      %dma_wait3A = tpu.memref_slice %arg4[%mul3A_5] : memref<327680xi32, #tpu.memory_space<hbm>> -> memref<128xi32, #tpu.memory_space<hbm>>
      %dma_wait3A_13 = tpu.memref_slice %arg4[%mul3A_5] : memref<327680xi32, #tpu.memory_space<hbm>> -> memref<128xi32, #tpu.memory_space<hbm>>
      tpu.wait_dma2 semaphore(%run_scoped3A : memref<!tpu.dma_semaphore, #tpu.memory_space<semaphore_mem>>) src(%dma_wait3A_13 : memref<128xi32, #tpu.memory_space<hbm>>) dst(%arg11 : memref<128xi32, #tpu.memory_space<vmem>>)
      tpu.yield
    }) : () -> ()
    %scan3A = arith.constant 0 : i32
    %scan3A_6 = arith.constant 0 : i32
    %scan3A_7 = arith.constant 40 : i32
    %scan3A_8 = arith.addi %scan3A_6, %scan3A_7 : i32
    %scan3A_9 = arith.constant 1 : i32
    scf.for %scan3A_12 = %scan3A_6 to %scan3A_8 step %scan3A_9  : i32 {
      %mul3A_13 = arith.constant 2 : i32
      %mul3A_14 = arith.muli %scan3A_12, %mul3A_13 : i32
      %add3A_15 = arith.constant 0 : i32
      %add3A_16 = arith.addi %mul3A_14, %add3A_15 : i32
      %dma_start3A = arith.constant 0 : i32
      %dma_start3A_17 = arith.constant 0 : i32
      %dma_start3A_18 = tpu.memref_slice %arg2[%dma_start3A, %dma_start3A_17] : memref<10000x128xf32, #tpu.memory_space<hbm>> -> memref<10000x128xf32, #tpu.memory_space<hbm>>
      tpu.enqueue_indirect_dma source(%dma_start3A_18 : memref<10000x128xf32, #tpu.memory_space<hbm>>) target(%arg13 : memref<128x128xf32, #tpu.memory_space<vmem>>) offsets(%arg9 : memref<128xi32, #tpu.memory_space<vmem>>) semaphore(%arg15 : memref<!tpu.dma_semaphore, #tpu.memory_space<semaphore_mem>>)
      %add3A_19 = arith.constant 1 : i32
      %add3A_20 = arith.addi %add3A_16, %add3A_19 : i32
      %lt3A = arith.constant 80 : i32
      %lt3A_21 = arith.cmpi slt, %add3A_20, %lt3A : i32
      %convert_element_type3A = arith.extui %lt3A_21 : i1 to i32
      %cond3A = arith.constant 0 : i32
      %cond3A_22 = arith.cmpi ne, %convert_element_type3A, %cond3A : i32
      scf.if %cond3A_22 {
        %add3A_73 = arith.constant 1 : i32
        %add3A_74 = arith.addi %add3A_16, %add3A_73 : i32
        %mul3A_75 = arith.constant 128 : i32
        %mul3A_76 = arith.muli %add3A_74, %mul3A_75 : i32
        %add3A_77 = arith.addi %mul3A_5, %mul3A_76 : i32
        "tpu.region"() ({
          %run_scoped3A = tpu.sem_alloc : memref<!tpu.dma_semaphore, #tpu.memory_space<semaphore_mem>>
          %dma_start3A_78 = tpu.memref_slice %arg3[%add3A_77] : memref<327680xi32, #tpu.memory_space<hbm>> -> memref<128xi32, #tpu.memory_space<hbm>>
          %dma_start3A_79 = tpu.memref_slice %arg3[%add3A_77] : memref<327680xi32, #tpu.memory_space<hbm>> -> memref<128xi32, #tpu.memory_space<hbm>>
          tpu.enqueue_dma source(%dma_start3A_79 : memref<128xi32, #tpu.memory_space<hbm>>) target(%arg10 : memref<128xi32, #tpu.memory_space<vmem>>) target_semaphore(%run_scoped3A : memref<!tpu.dma_semaphore, #tpu.memory_space<semaphore_mem>>)
          %dma_wait3A_80 = tpu.memref_slice %arg3[%add3A_77] : memref<327680xi32, #tpu.memory_space<hbm>> -> memref<128xi32, #tpu.memory_space<hbm>>
          %dma_wait3A_81 = tpu.memref_slice %arg3[%add3A_77] : memref<327680xi32, #tpu.memory_space<hbm>> -> memref<128xi32, #tpu.memory_space<hbm>>
          tpu.wait_dma2 semaphore(%run_scoped3A : memref<!tpu.dma_semaphore, #tpu.memory_space<semaphore_mem>>) src(%dma_wait3A_81 : memref<128xi32, #tpu.memory_space<hbm>>) dst(%arg10 : memref<128xi32, #tpu.memory_space<vmem>>)
          tpu.yield
        }) : () -> ()
        "tpu.region"() ({
          %run_scoped3A = tpu.sem_alloc : memref<!tpu.dma_semaphore, #tpu.memory_space<semaphore_mem>>
          %dma_start3A_78 = tpu.memref_slice %arg4[%add3A_77] : memref<327680xi32, #tpu.memory_space<hbm>> -> memref<128xi32, #tpu.memory_space<hbm>>
          %dma_start3A_79 = tpu.memref_slice %arg4[%add3A_77] : memref<327680xi32, #tpu.memory_space<hbm>> -> memref<128xi32, #tpu.memory_space<hbm>>
          tpu.enqueue_dma source(%dma_start3A_79 : memref<128xi32, #tpu.memory_space<hbm>>) target(%arg12 : memref<128xi32, #tpu.memory_space<vmem>>) target_semaphore(%run_scoped3A : memref<!tpu.dma_semaphore, #tpu.memory_space<semaphore_mem>>)
          %dma_wait3A_80 = tpu.memref_slice %arg4[%add3A_77] : memref<327680xi32, #tpu.memory_space<hbm>> -> memref<128xi32, #tpu.memory_space<hbm>>
          %dma_wait3A_81 = tpu.memref_slice %arg4[%add3A_77] : memref<327680xi32, #tpu.memory_space<hbm>> -> memref<128xi32, #tpu.memory_space<hbm>>
          tpu.wait_dma2 semaphore(%run_scoped3A : memref<!tpu.dma_semaphore, #tpu.memory_space<semaphore_mem>>) src(%dma_wait3A_81 : memref<128xi32, #tpu.memory_space<hbm>>) dst(%arg12 : memref<128xi32, #tpu.memory_space<vmem>>)
          tpu.yield
        }) : () -> ()
      } else {
      }
      %dma_wait3A = arith.constant 0 : i32
      %dma_wait3A_23 = arith.constant 0 : i32
      %dma_wait3A_24 = tpu.memref_slice %arg2[%dma_wait3A, %dma_wait3A_23] : memref<10000x128xf32, #tpu.memory_space<hbm>> -> memref<10000x128xf32, #tpu.memory_space<hbm>>
      tpu.wait_indirect_dma semaphore(%arg15 : memref<!tpu.dma_semaphore, #tpu.memory_space<semaphore_mem>>) src(%dma_wait3A_24 : memref<10000x128xf32, #tpu.memory_space<hbm>>) dst(%arg13 : memref<128x128xf32, #tpu.memory_space<vmem>>)
      "tpu.region"() ({
        %run_scoped3A = tpu.sem_alloc : memref<!tpu.dma_semaphore, #tpu.memory_space<semaphore_mem>>
        %dma_start3A_73 = arith.constant 0 : i32
        %dma_start3A_74 = arith.constant 0 : i32
        %dma_start3A_75 = tpu.memref_slice %arg14[%dma_start3A_73, %dma_start3A_74] : memref<10112x128xf32, #tpu.memory_space<vmem_shared>> -> memref<10112x128xf32, #tpu.memory_space<vmem_shared>>
        tpu.enqueue_indirect_dma source(%arg13 : memref<128x128xf32, #tpu.memory_space<vmem>>) target(%dma_start3A_75 : memref<10112x128xf32, #tpu.memory_space<vmem_shared>>) offsets(%arg11 : memref<128xi32, #tpu.memory_space<vmem>>) semaphore(%run_scoped3A : memref<!tpu.dma_semaphore, #tpu.memory_space<semaphore_mem>>) {add = true}
        %dma_wait3A_76 = arith.constant 0 : i32
        %dma_wait3A_77 = arith.constant 0 : i32
        %dma_wait3A_78 = tpu.memref_slice %arg14[%dma_wait3A_76, %dma_wait3A_77] : memref<10112x128xf32, #tpu.memory_space<vmem_shared>> -> memref<10112x128xf32, #tpu.memory_space<vmem_shared>>
        tpu.wait_indirect_dma semaphore(%run_scoped3A : memref<!tpu.dma_semaphore, #tpu.memory_space<semaphore_mem>>) src(%arg13 : memref<128x128xf32, #tpu.memory_space<vmem>>) dst(%dma_wait3A_78 : memref<10112x128xf32, #tpu.memory_space<vmem_shared>>)
        tpu.yield
      }) : () -> ()
      %get3A = arith.constant 0 : index
      %get3A_25 = tpu.vector_load %arg11[%get3A] {strides = array<i32>} : memref<128xi32, #tpu.memory_space<vmem>>, vector<16xi32>,
      tpu.vector_store_idx %arg16[%get3A_25], %broadcast_in_dim3A_3 {add = true} : memref<10112xf32, #tpu.memory_space<vmem>>[vector<16xi32>], vector<16xf32>,
      %get3A_26 = arith.constant 16 : index
      %get3A_27 = tpu.vector_load %arg11[%get3A_26] {strides = array<i32>} : memref<128xi32, #tpu.memory_space<vmem>>, vector<16xi32>,
      tpu.vector_store_idx %arg16[%get3A_27], %broadcast_in_dim3A_3 {add = true} : memref<10112xf32, #tpu.memory_space<vmem>>[vector<16xi32>], vector<16xf32>,
      %get3A_28 = arith.constant 32 : index
      %get3A_29 = tpu.vector_load %arg11[%get3A_28] {strides = array<i32>} : memref<128xi32, #tpu.memory_space<vmem>>, vector<16xi32>,
      tpu.vector_store_idx %arg16[%get3A_29], %broadcast_in_dim3A_3 {add = true} : memref<10112xf32, #tpu.memory_space<vmem>>[vector<16xi32>], vector<16xf32>,
      %get3A_30 = arith.constant 48 : index
      %get3A_31 = tpu.vector_load %arg11[%get3A_30] {strides = array<i32>} : memref<128xi32, #tpu.memory_space<vmem>>, vector<16xi32>,
      tpu.vector_store_idx %arg16[%get3A_31], %broadcast_in_dim3A_3 {add = true} : memref<10112xf32, #tpu.memory_space<vmem>>[vector<16xi32>], vector<16xf32>,
      %get3A_32 = arith.constant 64 : index
      %get3A_33 = tpu.vector_load %arg11[%get3A_32] {strides = array<i32>} : memref<128xi32, #tpu.memory_space<vmem>>, vector<16xi32>,
      tpu.vector_store_idx %arg16[%get3A_33], %broadcast_in_dim3A_3 {add = true} : memref<10112xf32, #tpu.memory_space<vmem>>[vector<16xi32>], vector<16xf32>,
      %get3A_34 = arith.constant 80 : index
      %get3A_35 = tpu.vector_load %arg11[%get3A_34] {strides = array<i32>} : memref<128xi32, #tpu.memory_space<vmem>>, vector<16xi32>,
      tpu.vector_store_idx %arg16[%get3A_35], %broadcast_in_dim3A_3 {add = true} : memref<10112xf32, #tpu.memory_space<vmem>>[vector<16xi32>], vector<16xf32>,
      %get3A_36 = arith.constant 96 : index
      %get3A_37 = tpu.vector_load %arg11[%get3A_36] {strides = array<i32>} : memref<128xi32, #tpu.memory_space<vmem>>, vector<16xi32>,
      tpu.vector_store_idx %arg16[%get3A_37], %broadcast_in_dim3A_3 {add = true} : memref<10112xf32, #tpu.memory_space<vmem>>[vector<16xi32>], vector<16xf32>,
      %get3A_38 = arith.constant 112 : index
      %get3A_39 = tpu.vector_load %arg11[%get3A_38] {strides = array<i32>} : memref<128xi32, #tpu.memory_space<vmem>>, vector<16xi32>,
      tpu.vector_store_idx %arg16[%get3A_39], %broadcast_in_dim3A_3 {add = true} : memref<10112xf32, #tpu.memory_space<vmem>>[vector<16xi32>], vector<16xf32>,
      %mul3A_40 = arith.constant 2 : i32
      %mul3A_41 = arith.muli %scan3A_12, %mul3A_40 : i32
      %add3A_42 = arith.constant 1 : i32
      %add3A_43 = arith.addi %mul3A_41, %add3A_42 : i32
      %dma_start3A_44 = arith.constant 0 : i32
      %dma_start3A_45 = arith.constant 0 : i32
      %dma_start3A_46 = tpu.memref_slice %arg2[%dma_start3A_44, %dma_start3A_45] : memref<10000x128xf32, #tpu.memory_space<hbm>> -> memref<10000x128xf32, #tpu.memory_space<hbm>>
      tpu.enqueue_indirect_dma source(%dma_start3A_46 : memref<10000x128xf32, #tpu.memory_space<hbm>>) target(%arg13 : memref<128x128xf32, #tpu.memory_space<vmem>>) offsets(%arg10 : memref<128xi32, #tpu.memory_space<vmem>>) semaphore(%arg15 : memref<!tpu.dma_semaphore, #tpu.memory_space<semaphore_mem>>)
      %add3A_47 = arith.constant 1 : i32
      %add3A_48 = arith.addi %add3A_43, %add3A_47 : i32
      %lt3A_49 = arith.constant 80 : i32
      %lt3A_50 = arith.cmpi slt, %add3A_48, %lt3A_49 : i32
      %convert_element_type3A_51 = arith.extui %lt3A_50 : i1 to i32
      %cond3A_52 = arith.constant 0 : i32
      %cond3A_53 = arith.cmpi ne, %convert_element_type3A_51, %cond3A_52 : i32
      scf.if %cond3A_53 {
        %add3A_73 = arith.constant 1 : i32
        %add3A_74 = arith.addi %add3A_43, %add3A_73 : i32
        %mul3A_75 = arith.constant 128 : i32
        %mul3A_76 = arith.muli %add3A_74, %mul3A_75 : i32
        %add3A_77 = arith.addi %mul3A_5, %mul3A_76 : i32
        "tpu.region"() ({
          %run_scoped3A = tpu.sem_alloc : memref<!tpu.dma_semaphore, #tpu.memory_space<semaphore_mem>>
          %dma_start3A_78 = tpu.memref_slice %arg3[%add3A_77] : memref<327680xi32, #tpu.memory_space<hbm>> -> memref<128xi32, #tpu.memory_space<hbm>>
          %dma_start3A_79 = tpu.memref_slice %arg3[%add3A_77] : memref<327680xi32, #tpu.memory_space<hbm>> -> memref<128xi32, #tpu.memory_space<hbm>>
          tpu.enqueue_dma source(%dma_start3A_79 : memref<128xi32, #tpu.memory_space<hbm>>) target(%arg9 : memref<128xi32, #tpu.memory_space<vmem>>) target_semaphore(%run_scoped3A : memref<!tpu.dma_semaphore, #tpu.memory_space<semaphore_mem>>)
          %dma_wait3A_80 = tpu.memref_slice %arg3[%add3A_77] : memref<327680xi32, #tpu.memory_space<hbm>> -> memref<128xi32, #tpu.memory_space<hbm>>
          %dma_wait3A_81 = tpu.memref_slice %arg3[%add3A_77] : memref<327680xi32, #tpu.memory_space<hbm>> -> memref<128xi32, #tpu.memory_space<hbm>>
          tpu.wait_dma2 semaphore(%run_scoped3A : memref<!tpu.dma_semaphore, #tpu.memory_space<semaphore_mem>>) src(%dma_wait3A_81 : memref<128xi32, #tpu.memory_space<hbm>>) dst(%arg9 : memref<128xi32, #tpu.memory_space<vmem>>)
          tpu.yield
        }) : () -> ()
        "tpu.region"() ({
          %run_scoped3A = tpu.sem_alloc : memref<!tpu.dma_semaphore, #tpu.memory_space<semaphore_mem>>
          %dma_start3A_78 = tpu.memref_slice %arg4[%add3A_77] : memref<327680xi32, #tpu.memory_space<hbm>> -> memref<128xi32, #tpu.memory_space<hbm>>
          %dma_start3A_79 = tpu.memref_slice %arg4[%add3A_77] : memref<327680xi32, #tpu.memory_space<hbm>> -> memref<128xi32, #tpu.memory_space<hbm>>
          tpu.enqueue_dma source(%dma_start3A_79 : memref<128xi32, #tpu.memory_space<hbm>>) target(%arg11 : memref<128xi32, #tpu.memory_space<vmem>>) target_semaphore(%run_scoped3A : memref<!tpu.dma_semaphore, #tpu.memory_space<semaphore_mem>>)
          %dma_wait3A_80 = tpu.memref_slice %arg4[%add3A_77] : memref<327680xi32, #tpu.memory_space<hbm>> -> memref<128xi32, #tpu.memory_space<hbm>>
          %dma_wait3A_81 = tpu.memref_slice %arg4[%add3A_77] : memref<327680xi32, #tpu.memory_space<hbm>> -> memref<128xi32, #tpu.memory_space<hbm>>
          tpu.wait_dma2 semaphore(%run_scoped3A : memref<!tpu.dma_semaphore, #tpu.memory_space<semaphore_mem>>) src(%dma_wait3A_81 : memref<128xi32, #tpu.memory_space<hbm>>) dst(%arg11 : memref<128xi32, #tpu.memory_space<vmem>>)
          tpu.yield
        }) : () -> ()
      } else {
      }
      %dma_wait3A_54 = arith.constant 0 : i32
      %dma_wait3A_55 = arith.constant 0 : i32
      %dma_wait3A_56 = tpu.memref_slice %arg2[%dma_wait3A_54, %dma_wait3A_55] : memref<10000x128xf32, #tpu.memory_space<hbm>> -> memref<10000x128xf32, #tpu.memory_space<hbm>>
      tpu.wait_indirect_dma semaphore(%arg15 : memref<!tpu.dma_semaphore, #tpu.memory_space<semaphore_mem>>) src(%dma_wait3A_56 : memref<10000x128xf32, #tpu.memory_space<hbm>>) dst(%arg13 : memref<128x128xf32, #tpu.memory_space<vmem>>)
      "tpu.region"() ({
        %run_scoped3A = tpu.sem_alloc : memref<!tpu.dma_semaphore, #tpu.memory_space<semaphore_mem>>
        %dma_start3A_73 = arith.constant 0 : i32
        %dma_start3A_74 = arith.constant 0 : i32
        %dma_start3A_75 = tpu.memref_slice %arg14[%dma_start3A_73, %dma_start3A_74] : memref<10112x128xf32, #tpu.memory_space<vmem_shared>> -> memref<10112x128xf32, #tpu.memory_space<vmem_shared>>
        tpu.enqueue_indirect_dma source(%arg13 : memref<128x128xf32, #tpu.memory_space<vmem>>) target(%dma_start3A_75 : memref<10112x128xf32, #tpu.memory_space<vmem_shared>>) offsets(%arg12 : memref<128xi32, #tpu.memory_space<vmem>>) semaphore(%run_scoped3A : memref<!tpu.dma_semaphore, #tpu.memory_space<semaphore_mem>>) {add = true}
        %dma_wait3A_76 = arith.constant 0 : i32
        %dma_wait3A_77 = arith.constant 0 : i32
        %dma_wait3A_78 = tpu.memref_slice %arg14[%dma_wait3A_76, %dma_wait3A_77] : memref<10112x128xf32, #tpu.memory_space<vmem_shared>> -> memref<10112x128xf32, #tpu.memory_space<vmem_shared>>
        tpu.wait_indirect_dma semaphore(%run_scoped3A : memref<!tpu.dma_semaphore, #tpu.memory_space<semaphore_mem>>) src(%arg13 : memref<128x128xf32, #tpu.memory_space<vmem>>) dst(%dma_wait3A_78 : memref<10112x128xf32, #tpu.memory_space<vmem_shared>>)
        tpu.yield
      }) : () -> ()
      %get3A_57 = arith.constant 0 : index
      %get3A_58 = tpu.vector_load %arg12[%get3A_57] {strides = array<i32>} : memref<128xi32, #tpu.memory_space<vmem>>, vector<16xi32>,
      tpu.vector_store_idx %arg16[%get3A_58], %broadcast_in_dim3A_3 {add = true} : memref<10112xf32, #tpu.memory_space<vmem>>[vector<16xi32>], vector<16xf32>,
      %get3A_59 = arith.constant 16 : index
      %get3A_60 = tpu.vector_load %arg12[%get3A_59] {strides = array<i32>} : memref<128xi32, #tpu.memory_space<vmem>>, vector<16xi32>,
      tpu.vector_store_idx %arg16[%get3A_60], %broadcast_in_dim3A_3 {add = true} : memref<10112xf32, #tpu.memory_space<vmem>>[vector<16xi32>], vector<16xf32>,
      %get3A_61 = arith.constant 32 : index
      %get3A_62 = tpu.vector_load %arg12[%get3A_61] {strides = array<i32>} : memref<128xi32, #tpu.memory_space<vmem>>, vector<16xi32>,
      tpu.vector_store_idx %arg16[%get3A_62], %broadcast_in_dim3A_3 {add = true} : memref<10112xf32, #tpu.memory_space<vmem>>[vector<16xi32>], vector<16xf32>,
      %get3A_63 = arith.constant 48 : index
      %get3A_64 = tpu.vector_load %arg12[%get3A_63] {strides = array<i32>} : memref<128xi32, #tpu.memory_space<vmem>>, vector<16xi32>,
      tpu.vector_store_idx %arg16[%get3A_64], %broadcast_in_dim3A_3 {add = true} : memref<10112xf32, #tpu.memory_space<vmem>>[vector<16xi32>], vector<16xf32>,
      %get3A_65 = arith.constant 64 : index
      %get3A_66 = tpu.vector_load %arg12[%get3A_65] {strides = array<i32>} : memref<128xi32, #tpu.memory_space<vmem>>, vector<16xi32>,
      tpu.vector_store_idx %arg16[%get3A_66], %broadcast_in_dim3A_3 {add = true} : memref<10112xf32, #tpu.memory_space<vmem>>[vector<16xi32>], vector<16xf32>,
      %get3A_67 = arith.constant 80 : index
      %get3A_68 = tpu.vector_load %arg12[%get3A_67] {strides = array<i32>} : memref<128xi32, #tpu.memory_space<vmem>>, vector<16xi32>,
      tpu.vector_store_idx %arg16[%get3A_68], %broadcast_in_dim3A_3 {add = true} : memref<10112xf32, #tpu.memory_space<vmem>>[vector<16xi32>], vector<16xf32>,
      %get3A_69 = arith.constant 96 : index
      %get3A_70 = tpu.vector_load %arg12[%get3A_69] {strides = array<i32>} : memref<128xi32, #tpu.memory_space<vmem>>, vector<16xi32>,
      tpu.vector_store_idx %arg16[%get3A_70], %broadcast_in_dim3A_3 {add = true} : memref<10112xf32, #tpu.memory_space<vmem>>[vector<16xi32>], vector<16xf32>,
      %get3A_71 = arith.constant 112 : index
      %get3A_72 = tpu.vector_load %arg12[%get3A_71] {strides = array<i32>} : memref<128xi32, #tpu.memory_space<vmem>>, vector<16xi32>,
      tpu.vector_store_idx %arg16[%get3A_72], %broadcast_in_dim3A_3 {add = true} : memref<10112xf32, #tpu.memory_space<vmem>>[vector<16xi32>], vector<16xf32>,
    }
    %scan3A_10 = arith.constant 40 : i32
    "tpu.region"() ({
      %run_scoped3A = tpu.sem_alloc : memref<!tpu.dma_semaphore, #tpu.memory_space<semaphore_mem>>
      %dma_start3A = arith.constant 0 : i32
      %dma_start3A_12 = tpu.memref_slice %arg8[%arg0, %arg1, %dma_start3A] : memref<2x16x10112xf32, #tpu.memory_space<hbm>> -> memref<1x1x10112xf32, #tpu.memory_space<hbm>>
      %dma_start3A_13 = tpu.memref_squeeze %dma_start3A_12 : memref<1x1x10112xf32, #tpu.memory_space<hbm>> -> memref<10112xf32, #tpu.memory_space<hbm>>
      %dma_start3A_14 = arith.constant 0 : i32
      %dma_start3A_15 = tpu.memref_slice %arg8[%arg0, %arg1, %dma_start3A_14] : memref<2x16x10112xf32, #tpu.memory_space<hbm>> -> memref<1x1x10112xf32, #tpu.memory_space<hbm>>
      %dma_start3A_16 = tpu.memref_squeeze %dma_start3A_15 : memref<1x1x10112xf32, #tpu.memory_space<hbm>> -> memref<10112xf32, #tpu.memory_space<hbm>>
      tpu.enqueue_dma source(%arg16 : memref<10112xf32, #tpu.memory_space<vmem>>) target(%dma_start3A_16 : memref<10112xf32, #tpu.memory_space<hbm>>) target_semaphore(%run_scoped3A : memref<!tpu.dma_semaphore, #tpu.memory_space<semaphore_mem>>)
      %dma_wait3A = arith.constant 0 : i32
      %dma_wait3A_17 = tpu.memref_slice %arg8[%arg0, %arg1, %dma_wait3A] : memref<2x16x10112xf32, #tpu.memory_space<hbm>> -> memref<1x1x10112xf32, #tpu.memory_space<hbm>>
      %dma_wait3A_18 = tpu.memref_squeeze %dma_wait3A_17 : memref<1x1x10112xf32, #tpu.memory_space<hbm>> -> memref<10112xf32, #tpu.memory_space<hbm>>
      %dma_wait3A_19 = arith.constant 0 : i32
      %dma_wait3A_20 = tpu.memref_slice %arg8[%arg0, %arg1, %dma_wait3A_19] : memref<2x16x10112xf32, #tpu.memory_space<hbm>> -> memref<1x1x10112xf32, #tpu.memory_space<hbm>>
      %dma_wait3A_21 = tpu.memref_squeeze %dma_wait3A_20 : memref<1x1x10112xf32, #tpu.memory_space<hbm>> -> memref<10112xf32, #tpu.memory_space<hbm>>
      tpu.wait_dma2 semaphore(%run_scoped3A : memref<!tpu.dma_semaphore, #tpu.memory_space<semaphore_mem>>) src(%arg16 : memref<10112xf32, #tpu.memory_space<vmem>>) dst(%dma_wait3A_21 : memref<10112xf32, #tpu.memory_space<hbm>>)
      tpu.yield
    }) : () -> ()
    %barrier3A_11 = arith.constant 0 : index
    tpu.barrier barrier_id(%barrier3A_11)
    "tpu.region"() ({
      %run_scoped3A = tpu.sem_alloc : memref<!tpu.dma_semaphore, #tpu.memory_space<semaphore_mem>>
      %dma_start3A = arith.constant 0 : i32
      %dma_start3A_12 = tpu.memref_slice %arg7[%arg0, %mul3A_2, %dma_start3A] : memref<2x10112x128xf32, #tpu.memory_space<hbm>> -> memref<1x632x128xf32, #tpu.memory_space<hbm>>
      %dma_start3A_13 = tpu.memref_squeeze %dma_start3A_12 : memref<1x632x128xf32, #tpu.memory_space<hbm>> -> memref<632x128xf32, #tpu.memory_space<hbm>>
      %dma_start3A_14 = arith.constant 0 : i32
      %dma_start3A_15 = tpu.memref_slice %arg14[%mul3A_2, %dma_start3A_14] : memref<10112x128xf32, #tpu.memory_space<vmem_shared>> -> memref<632x128xf32, #tpu.memory_space<vmem_shared>>
      tpu.enqueue_dma source(%dma_start3A_15 : memref<632x128xf32, #tpu.memory_space<vmem_shared>>) target(%dma_start3A_13 : memref<632x128xf32, #tpu.memory_space<hbm>>) target_semaphore(%run_scoped3A : memref<!tpu.dma_semaphore, #tpu.memory_space<semaphore_mem>>)
      %dma_wait3A = arith.constant 0 : i32
      %dma_wait3A_16 = tpu.memref_slice %arg7[%arg0, %mul3A_2, %dma_wait3A] : memref<2x10112x128xf32, #tpu.memory_space<hbm>> -> memref<1x632x128xf32, #tpu.memory_space<hbm>>
      %dma_wait3A_17 = tpu.memref_squeeze %dma_wait3A_16 : memref<1x632x128xf32, #tpu.memory_space<hbm>> -> memref<632x128xf32, #tpu.memory_space<hbm>>
      %dma_wait3A_18 = arith.constant 0 : i32
      %dma_wait3A_19 = tpu.memref_slice %arg14[%mul3A_2, %dma_wait3A_18] : memref<10112x128xf32, #tpu.memory_space<vmem_shared>> -> memref<632x128xf32, #tpu.memory_space<vmem_shared>>
      tpu.wait_dma2 semaphore(%run_scoped3A : memref<!tpu.dma_semaphore, #tpu.memory_space<semaphore_mem>>) src(%dma_wait3A_19 : memref<632x128xf32, #tpu.memory_space<vmem_shared>>) dst(%dma_wait3A_17 : memref<632x128xf32, #tpu.memory_space<hbm>>)
      tpu.yield
    }) : () -> ()
    return
  }
}

#map = affine_map<(d0, d1) -> (0, 0)>
#map1 = affine_map<(d0, d1) -> (0)>
#map2 = affine_map<(d0, d1) -> (0, 0, 0)>
module attributes {stable_mosaic.version = 14 : i64} {
  func.func @body(%arg0: i32, %arg1: i32, %arg2: memref<10000x128xf32, #tpu.memory_space<hbm>>, %arg3: memref<327680xi32, #tpu.memory_space<hbm>>, %arg4: memref<327680xi32, #tpu.memory_space<hbm>>, %arg5: memref<10112x128xf32, #tpu.memory_space<hbm>>, %arg6: memref<10112xf32, #tpu.memory_space<hbm>>, %arg7: memref<2x10112x128xf32, #tpu.memory_space<hbm>>, %arg8: memref<128xi32, #tpu.memory_space<vmem>>, %arg9: memref<128xi32, #tpu.memory_space<vmem>>, %arg10: memref<128xi32, #tpu.memory_space<vmem>>, %arg11: memref<128xi32, #tpu.memory_space<vmem>>, %arg12: memref<128x128xf32, #tpu.memory_space<vmem>>, %arg13: memref<10112x128xf32, #tpu.memory_space<vmem_shared>>, %arg14: memref<!tpu.dma_semaphore, #tpu.memory_space<semaphore_mem>>) attributes {dimension_semantics = [#tpu.dimension_semantics<core_parallel>, #tpu.dimension_semantics<subcore_parallel>], iteration_bounds = array<i64: 2, 16>, scalar_prefetch = 0 : i64, scratch_operands = 7 : i64, tpu.core_type = #tpu.core_type<sc_vector_subcore>, window_params = [{transform_indices = #map}, {transform_indices = #map1}, {transform_indices = #map1}, {transform_indices = #map}, {transform_indices = #map1}, {transform_indices = #map2}]} {
    %mul3A = arith.constant 16 : i32
    %mul3A_0 = arith.muli %arg0, %mul3A : i32
    %add3A = arith.addi %mul3A_0, %arg1 : i32
    %mul3A_1 = arith.constant 632 : i32
    %mul3A_2 = arith.muli %arg1, %mul3A_1 : i32
    "tpu.region"() ({
      %run_scoped3A = tpu.sem_alloc : memref<!tpu.dma_semaphore, #tpu.memory_space<semaphore_mem>>
      %dma_start3A = arith.constant 0 : i32
      %dma_start3A_12 = tpu.memref_slice %arg13[%mul3A_2, %dma_start3A] : memref<10112x128xf32, #tpu.memory_space<vmem_shared>> -> memref<632x128xf32, #tpu.memory_space<vmem_shared>>
      %dma_start3A_13 = arith.constant 0 : i32
      %dma_start3A_14 = tpu.memref_slice %arg5[%mul3A_2, %dma_start3A_13] : memref<10112x128xf32, #tpu.memory_space<hbm>> -> memref<632x128xf32, #tpu.memory_space<hbm>>
      tpu.enqueue_dma source(%dma_start3A_14 : memref<632x128xf32, #tpu.memory_space<hbm>>) target(%dma_start3A_12 : memref<632x128xf32, #tpu.memory_space<vmem_shared>>) target_semaphore(%run_scoped3A : memref<!tpu.dma_semaphore, #tpu.memory_space<semaphore_mem>>)
      %dma_wait3A = arith.constant 0 : i32
      %dma_wait3A_15 = tpu.memref_slice %arg13[%mul3A_2, %dma_wait3A] : memref<10112x128xf32, #tpu.memory_space<vmem_shared>> -> memref<632x128xf32, #tpu.memory_space<vmem_shared>>
      %dma_wait3A_16 = arith.constant 0 : i32
      %dma_wait3A_17 = tpu.memref_slice %arg5[%mul3A_2, %dma_wait3A_16] : memref<10112x128xf32, #tpu.memory_space<hbm>> -> memref<632x128xf32, #tpu.memory_space<hbm>>
      tpu.wait_dma2 semaphore(%run_scoped3A : memref<!tpu.dma_semaphore, #tpu.memory_space<semaphore_mem>>) src(%dma_wait3A_17 : memref<632x128xf32, #tpu.memory_space<hbm>>) dst(%dma_wait3A_15 : memref<632x128xf32, #tpu.memory_space<vmem_shared>>)
      tpu.yield
    }) : () -> ()
    %barrier3A = arith.constant 0 : index
    tpu.barrier barrier_id(%barrier3A)
    %broadcast_in_dim3A = arith.constant 1.000000e+00 : f32
    %broadcast_in_dim3A_3 = vector.broadcast %broadcast_in_dim3A : f32 to vector<16xf32>
    %mul3A_4 = arith.constant 10240 : i32
    %mul3A_5 = arith.muli %add3A, %mul3A_4 : i32
    "tpu.region"() ({
      %run_scoped3A = tpu.sem_alloc : memref<!tpu.dma_semaphore, #tpu.memory_space<semaphore_mem>>
      %dma_start3A = tpu.memref_slice %arg3[%mul3A_5] : memref<327680xi32, #tpu.memory_space<hbm>> -> memref<128xi32, #tpu.memory_space<hbm>>
      %dma_start3A_12 = tpu.memref_slice %arg3[%mul3A_5] : memref<327680xi32, #tpu.memory_space<hbm>> -> memref<128xi32, #tpu.memory_space<hbm>>
      tpu.enqueue_dma source(%dma_start3A_12 : memref<128xi32, #tpu.memory_space<hbm>>) target(%arg8 : memref<128xi32, #tpu.memory_space<vmem>>) target_semaphore(%run_scoped3A : memref<!tpu.dma_semaphore, #tpu.memory_space<semaphore_mem>>)
      %dma_wait3A = tpu.memref_slice %arg3[%mul3A_5] : memref<327680xi32, #tpu.memory_space<hbm>> -> memref<128xi32, #tpu.memory_space<hbm>>
      %dma_wait3A_13 = tpu.memref_slice %arg3[%mul3A_5] : memref<327680xi32, #tpu.memory_space<hbm>> -> memref<128xi32, #tpu.memory_space<hbm>>
      tpu.wait_dma2 semaphore(%run_scoped3A : memref<!tpu.dma_semaphore, #tpu.memory_space<semaphore_mem>>) src(%dma_wait3A_13 : memref<128xi32, #tpu.memory_space<hbm>>) dst(%arg8 : memref<128xi32, #tpu.memory_space<vmem>>)
      tpu.yield
    }) : () -> ()
    "tpu.region"() ({
      %run_scoped3A = tpu.sem_alloc : memref<!tpu.dma_semaphore, #tpu.memory_space<semaphore_mem>>
      %dma_start3A = tpu.memref_slice %arg4[%mul3A_5] : memref<327680xi32, #tpu.memory_space<hbm>> -> memref<128xi32, #tpu.memory_space<hbm>>
      %dma_start3A_12 = tpu.memref_slice %arg4[%mul3A_5] : memref<327680xi32, #tpu.memory_space<hbm>> -> memref<128xi32, #tpu.memory_space<hbm>>
      tpu.enqueue_dma source(%dma_start3A_12 : memref<128xi32, #tpu.memory_space<hbm>>) target(%arg10 : memref<128xi32, #tpu.memory_space<vmem>>) target_semaphore(%run_scoped3A : memref<!tpu.dma_semaphore, #tpu.memory_space<semaphore_mem>>)
      %dma_wait3A = tpu.memref_slice %arg4[%mul3A_5] : memref<327680xi32, #tpu.memory_space<hbm>> -> memref<128xi32, #tpu.memory_space<hbm>>
      %dma_wait3A_13 = tpu.memref_slice %arg4[%mul3A_5] : memref<327680xi32, #tpu.memory_space<hbm>> -> memref<128xi32, #tpu.memory_space<hbm>>
      tpu.wait_dma2 semaphore(%run_scoped3A : memref<!tpu.dma_semaphore, #tpu.memory_space<semaphore_mem>>) src(%dma_wait3A_13 : memref<128xi32, #tpu.memory_space<hbm>>) dst(%arg10 : memref<128xi32, #tpu.memory_space<vmem>>)
      tpu.yield
    }) : () -> ()
    %scan3A = arith.constant 0 : i32
    %scan3A_6 = arith.constant 0 : i32
    %scan3A_7 = arith.constant 40 : i32
    %scan3A_8 = arith.addi %scan3A_6, %scan3A_7 : i32
    %scan3A_9 = arith.constant 1 : i32
    scf.for %scan3A_12 = %scan3A_6 to %scan3A_8 step %scan3A_9  : i32 {
      %mul3A_13 = arith.constant 2 : i32
      %mul3A_14 = arith.muli %scan3A_12, %mul3A_13 : i32
      %add3A_15 = arith.constant 0 : i32
      %add3A_16 = arith.addi %mul3A_14, %add3A_15 : i32
      %dma_start3A = arith.constant 0 : i32
      %dma_start3A_17 = arith.constant 0 : i32
      %dma_start3A_18 = tpu.memref_slice %arg2[%dma_start3A, %dma_start3A_17] : memref<10000x128xf32, #tpu.memory_space<hbm>> -> memref<10000x128xf32, #tpu.memory_space<hbm>>
      tpu.enqueue_indirect_dma source(%dma_start3A_18 : memref<10000x128xf32, #tpu.memory_space<hbm>>) target(%arg12 : memref<128x128xf32, #tpu.memory_space<vmem>>) offsets(%arg8 : memref<128xi32, #tpu.memory_space<vmem>>) semaphore(%arg14 : memref<!tpu.dma_semaphore, #tpu.memory_space<semaphore_mem>>)
      %add3A_19 = arith.constant 1 : i32
      %add3A_20 = arith.addi %add3A_16, %add3A_19 : i32
      %lt3A = arith.constant 80 : i32
      %lt3A_21 = arith.cmpi slt, %add3A_20, %lt3A : i32
      %convert_element_type3A = arith.extui %lt3A_21 : i1 to i32
      %cond3A = arith.constant 0 : i32
      %cond3A_22 = arith.cmpi ne, %convert_element_type3A, %cond3A : i32
      scf.if %cond3A_22 {
        %add3A_42 = arith.constant 1 : i32
        %add3A_43 = arith.addi %add3A_16, %add3A_42 : i32
        %mul3A_44 = arith.constant 128 : i32
        %mul3A_45 = arith.muli %add3A_43, %mul3A_44 : i32
        %add3A_46 = arith.addi %mul3A_5, %mul3A_45 : i32
        "tpu.region"() ({
          %run_scoped3A = tpu.sem_alloc : memref<!tpu.dma_semaphore, #tpu.memory_space<semaphore_mem>>
          %dma_start3A_47 = tpu.memref_slice %arg3[%add3A_46] : memref<327680xi32, #tpu.memory_space<hbm>> -> memref<128xi32, #tpu.memory_space<hbm>>
          %dma_start3A_48 = tpu.memref_slice %arg3[%add3A_46] : memref<327680xi32, #tpu.memory_space<hbm>> -> memref<128xi32, #tpu.memory_space<hbm>>
          tpu.enqueue_dma source(%dma_start3A_48 : memref<128xi32, #tpu.memory_space<hbm>>) target(%arg9 : memref<128xi32, #tpu.memory_space<vmem>>) target_semaphore(%run_scoped3A : memref<!tpu.dma_semaphore, #tpu.memory_space<semaphore_mem>>)
          %dma_wait3A_49 = tpu.memref_slice %arg3[%add3A_46] : memref<327680xi32, #tpu.memory_space<hbm>> -> memref<128xi32, #tpu.memory_space<hbm>>
          %dma_wait3A_50 = tpu.memref_slice %arg3[%add3A_46] : memref<327680xi32, #tpu.memory_space<hbm>> -> memref<128xi32, #tpu.memory_space<hbm>>
          tpu.wait_dma2 semaphore(%run_scoped3A : memref<!tpu.dma_semaphore, #tpu.memory_space<semaphore_mem>>) src(%dma_wait3A_50 : memref<128xi32, #tpu.memory_space<hbm>>) dst(%arg9 : memref<128xi32, #tpu.memory_space<vmem>>)
          tpu.yield
        }) : () -> ()
        "tpu.region"() ({
          %run_scoped3A = tpu.sem_alloc : memref<!tpu.dma_semaphore, #tpu.memory_space<semaphore_mem>>
          %dma_start3A_47 = tpu.memref_slice %arg4[%add3A_46] : memref<327680xi32, #tpu.memory_space<hbm>> -> memref<128xi32, #tpu.memory_space<hbm>>
          %dma_start3A_48 = tpu.memref_slice %arg4[%add3A_46] : memref<327680xi32, #tpu.memory_space<hbm>> -> memref<128xi32, #tpu.memory_space<hbm>>
          tpu.enqueue_dma source(%dma_start3A_48 : memref<128xi32, #tpu.memory_space<hbm>>) target(%arg11 : memref<128xi32, #tpu.memory_space<vmem>>) target_semaphore(%run_scoped3A : memref<!tpu.dma_semaphore, #tpu.memory_space<semaphore_mem>>)
          %dma_wait3A_49 = tpu.memref_slice %arg4[%add3A_46] : memref<327680xi32, #tpu.memory_space<hbm>> -> memref<128xi32, #tpu.memory_space<hbm>>
          %dma_wait3A_50 = tpu.memref_slice %arg4[%add3A_46] : memref<327680xi32, #tpu.memory_space<hbm>> -> memref<128xi32, #tpu.memory_space<hbm>>
          tpu.wait_dma2 semaphore(%run_scoped3A : memref<!tpu.dma_semaphore, #tpu.memory_space<semaphore_mem>>) src(%dma_wait3A_50 : memref<128xi32, #tpu.memory_space<hbm>>) dst(%arg11 : memref<128xi32, #tpu.memory_space<vmem>>)
          tpu.yield
        }) : () -> ()
      } else {
      }
      %dma_wait3A = arith.constant 0 : i32
      %dma_wait3A_23 = arith.constant 0 : i32
      %dma_wait3A_24 = tpu.memref_slice %arg2[%dma_wait3A, %dma_wait3A_23] : memref<10000x128xf32, #tpu.memory_space<hbm>> -> memref<10000x128xf32, #tpu.memory_space<hbm>>
      tpu.wait_indirect_dma semaphore(%arg14 : memref<!tpu.dma_semaphore, #tpu.memory_space<semaphore_mem>>) src(%dma_wait3A_24 : memref<10000x128xf32, #tpu.memory_space<hbm>>) dst(%arg12 : memref<128x128xf32, #tpu.memory_space<vmem>>)
      "tpu.region"() ({
        %run_scoped3A = tpu.sem_alloc : memref<!tpu.dma_semaphore, #tpu.memory_space<semaphore_mem>>
        %dma_start3A_42 = arith.constant 0 : i32
        %dma_start3A_43 = arith.constant 0 : i32
        %dma_start3A_44 = tpu.memref_slice %arg13[%dma_start3A_42, %dma_start3A_43] : memref<10112x128xf32, #tpu.memory_space<vmem_shared>> -> memref<10112x128xf32, #tpu.memory_space<vmem_shared>>
        tpu.enqueue_indirect_dma source(%arg12 : memref<128x128xf32, #tpu.memory_space<vmem>>) target(%dma_start3A_44 : memref<10112x128xf32, #tpu.memory_space<vmem_shared>>) offsets(%arg10 : memref<128xi32, #tpu.memory_space<vmem>>) semaphore(%run_scoped3A : memref<!tpu.dma_semaphore, #tpu.memory_space<semaphore_mem>>) {add = true}
        %dma_wait3A_45 = arith.constant 0 : i32
        %dma_wait3A_46 = arith.constant 0 : i32
        %dma_wait3A_47 = tpu.memref_slice %arg13[%dma_wait3A_45, %dma_wait3A_46] : memref<10112x128xf32, #tpu.memory_space<vmem_shared>> -> memref<10112x128xf32, #tpu.memory_space<vmem_shared>>
        tpu.wait_indirect_dma semaphore(%run_scoped3A : memref<!tpu.dma_semaphore, #tpu.memory_space<semaphore_mem>>) src(%arg12 : memref<128x128xf32, #tpu.memory_space<vmem>>) dst(%dma_wait3A_47 : memref<10112x128xf32, #tpu.memory_space<vmem_shared>>)
        tpu.yield
      }) : () -> ()
      %mul3A_25 = arith.constant 2 : i32
      %mul3A_26 = arith.muli %scan3A_12, %mul3A_25 : i32
      %add3A_27 = arith.constant 1 : i32
      %add3A_28 = arith.addi %mul3A_26, %add3A_27 : i32
      %dma_start3A_29 = arith.constant 0 : i32
      %dma_start3A_30 = arith.constant 0 : i32
      %dma_start3A_31 = tpu.memref_slice %arg2[%dma_start3A_29, %dma_start3A_30] : memref<10000x128xf32, #tpu.memory_space<hbm>> -> memref<10000x128xf32, #tpu.memory_space<hbm>>
      tpu.enqueue_indirect_dma source(%dma_start3A_31 : memref<10000x128xf32, #tpu.memory_space<hbm>>) target(%arg12 : memref<128x128xf32, #tpu.memory_space<vmem>>) offsets(%arg9 : memref<128xi32, #tpu.memory_space<vmem>>) semaphore(%arg14 : memref<!tpu.dma_semaphore, #tpu.memory_space<semaphore_mem>>)
      %add3A_32 = arith.constant 1 : i32
      %add3A_33 = arith.addi %add3A_28, %add3A_32 : i32
      %lt3A_34 = arith.constant 80 : i32
      %lt3A_35 = arith.cmpi slt, %add3A_33, %lt3A_34 : i32
      %convert_element_type3A_36 = arith.extui %lt3A_35 : i1 to i32
      %cond3A_37 = arith.constant 0 : i32
      %cond3A_38 = arith.cmpi ne, %convert_element_type3A_36, %cond3A_37 : i32
      scf.if %cond3A_38 {
        %add3A_42 = arith.constant 1 : i32
        %add3A_43 = arith.addi %add3A_28, %add3A_42 : i32
        %mul3A_44 = arith.constant 128 : i32
        %mul3A_45 = arith.muli %add3A_43, %mul3A_44 : i32
        %add3A_46 = arith.addi %mul3A_5, %mul3A_45 : i32
        "tpu.region"() ({
          %run_scoped3A = tpu.sem_alloc : memref<!tpu.dma_semaphore, #tpu.memory_space<semaphore_mem>>
          %dma_start3A_47 = tpu.memref_slice %arg3[%add3A_46] : memref<327680xi32, #tpu.memory_space<hbm>> -> memref<128xi32, #tpu.memory_space<hbm>>
          %dma_start3A_48 = tpu.memref_slice %arg3[%add3A_46] : memref<327680xi32, #tpu.memory_space<hbm>> -> memref<128xi32, #tpu.memory_space<hbm>>
          tpu.enqueue_dma source(%dma_start3A_48 : memref<128xi32, #tpu.memory_space<hbm>>) target(%arg8 : memref<128xi32, #tpu.memory_space<vmem>>) target_semaphore(%run_scoped3A : memref<!tpu.dma_semaphore, #tpu.memory_space<semaphore_mem>>)
          %dma_wait3A_49 = tpu.memref_slice %arg3[%add3A_46] : memref<327680xi32, #tpu.memory_space<hbm>> -> memref<128xi32, #tpu.memory_space<hbm>>
          %dma_wait3A_50 = tpu.memref_slice %arg3[%add3A_46] : memref<327680xi32, #tpu.memory_space<hbm>> -> memref<128xi32, #tpu.memory_space<hbm>>
          tpu.wait_dma2 semaphore(%run_scoped3A : memref<!tpu.dma_semaphore, #tpu.memory_space<semaphore_mem>>) src(%dma_wait3A_50 : memref<128xi32, #tpu.memory_space<hbm>>) dst(%arg8 : memref<128xi32, #tpu.memory_space<vmem>>)
          tpu.yield
        }) : () -> ()
        "tpu.region"() ({
          %run_scoped3A = tpu.sem_alloc : memref<!tpu.dma_semaphore, #tpu.memory_space<semaphore_mem>>
          %dma_start3A_47 = tpu.memref_slice %arg4[%add3A_46] : memref<327680xi32, #tpu.memory_space<hbm>> -> memref<128xi32, #tpu.memory_space<hbm>>
          %dma_start3A_48 = tpu.memref_slice %arg4[%add3A_46] : memref<327680xi32, #tpu.memory_space<hbm>> -> memref<128xi32, #tpu.memory_space<hbm>>
          tpu.enqueue_dma source(%dma_start3A_48 : memref<128xi32, #tpu.memory_space<hbm>>) target(%arg10 : memref<128xi32, #tpu.memory_space<vmem>>) target_semaphore(%run_scoped3A : memref<!tpu.dma_semaphore, #tpu.memory_space<semaphore_mem>>)
          %dma_wait3A_49 = tpu.memref_slice %arg4[%add3A_46] : memref<327680xi32, #tpu.memory_space<hbm>> -> memref<128xi32, #tpu.memory_space<hbm>>
          %dma_wait3A_50 = tpu.memref_slice %arg4[%add3A_46] : memref<327680xi32, #tpu.memory_space<hbm>> -> memref<128xi32, #tpu.memory_space<hbm>>
          tpu.wait_dma2 semaphore(%run_scoped3A : memref<!tpu.dma_semaphore, #tpu.memory_space<semaphore_mem>>) src(%dma_wait3A_50 : memref<128xi32, #tpu.memory_space<hbm>>) dst(%arg10 : memref<128xi32, #tpu.memory_space<vmem>>)
          tpu.yield
        }) : () -> ()
      } else {
      }
      %dma_wait3A_39 = arith.constant 0 : i32
      %dma_wait3A_40 = arith.constant 0 : i32
      %dma_wait3A_41 = tpu.memref_slice %arg2[%dma_wait3A_39, %dma_wait3A_40] : memref<10000x128xf32, #tpu.memory_space<hbm>> -> memref<10000x128xf32, #tpu.memory_space<hbm>>
      tpu.wait_indirect_dma semaphore(%arg14 : memref<!tpu.dma_semaphore, #tpu.memory_space<semaphore_mem>>) src(%dma_wait3A_41 : memref<10000x128xf32, #tpu.memory_space<hbm>>) dst(%arg12 : memref<128x128xf32, #tpu.memory_space<vmem>>)
      "tpu.region"() ({
        %run_scoped3A = tpu.sem_alloc : memref<!tpu.dma_semaphore, #tpu.memory_space<semaphore_mem>>
        %dma_start3A_42 = arith.constant 0 : i32
        %dma_start3A_43 = arith.constant 0 : i32
        %dma_start3A_44 = tpu.memref_slice %arg13[%dma_start3A_42, %dma_start3A_43] : memref<10112x128xf32, #tpu.memory_space<vmem_shared>> -> memref<10112x128xf32, #tpu.memory_space<vmem_shared>>
        tpu.enqueue_indirect_dma source(%arg12 : memref<128x128xf32, #tpu.memory_space<vmem>>) target(%dma_start3A_44 : memref<10112x128xf32, #tpu.memory_space<vmem_shared>>) offsets(%arg11 : memref<128xi32, #tpu.memory_space<vmem>>) semaphore(%run_scoped3A : memref<!tpu.dma_semaphore, #tpu.memory_space<semaphore_mem>>) {add = true}
        %dma_wait3A_45 = arith.constant 0 : i32
        %dma_wait3A_46 = arith.constant 0 : i32
        %dma_wait3A_47 = tpu.memref_slice %arg13[%dma_wait3A_45, %dma_wait3A_46] : memref<10112x128xf32, #tpu.memory_space<vmem_shared>> -> memref<10112x128xf32, #tpu.memory_space<vmem_shared>>
        tpu.wait_indirect_dma semaphore(%run_scoped3A : memref<!tpu.dma_semaphore, #tpu.memory_space<semaphore_mem>>) src(%arg12 : memref<128x128xf32, #tpu.memory_space<vmem>>) dst(%dma_wait3A_47 : memref<10112x128xf32, #tpu.memory_space<vmem_shared>>)
        tpu.yield
      }) : () -> ()
    }
    %scan3A_10 = arith.constant 40 : i32
    %barrier3A_11 = arith.constant 0 : index
    tpu.barrier barrier_id(%barrier3A_11)
    "tpu.region"() ({
      %run_scoped3A = tpu.sem_alloc : memref<!tpu.dma_semaphore, #tpu.memory_space<semaphore_mem>>
      %dma_start3A = arith.constant 0 : i32
      %dma_start3A_12 = tpu.memref_slice %arg7[%arg0, %mul3A_2, %dma_start3A] : memref<2x10112x128xf32, #tpu.memory_space<hbm>> -> memref<1x632x128xf32, #tpu.memory_space<hbm>>
      %dma_start3A_13 = tpu.memref_squeeze %dma_start3A_12 : memref<1x632x128xf32, #tpu.memory_space<hbm>> -> memref<632x128xf32, #tpu.memory_space<hbm>>
      %dma_start3A_14 = arith.constant 0 : i32
      %dma_start3A_15 = tpu.memref_slice %arg13[%mul3A_2, %dma_start3A_14] : memref<10112x128xf32, #tpu.memory_space<vmem_shared>> -> memref<632x128xf32, #tpu.memory_space<vmem_shared>>
      tpu.enqueue_dma source(%dma_start3A_15 : memref<632x128xf32, #tpu.memory_space<vmem_shared>>) target(%dma_start3A_13 : memref<632x128xf32, #tpu.memory_space<hbm>>) target_semaphore(%run_scoped3A : memref<!tpu.dma_semaphore, #tpu.memory_space<semaphore_mem>>)
      %dma_wait3A = arith.constant 0 : i32
      %dma_wait3A_16 = tpu.memref_slice %arg7[%arg0, %mul3A_2, %dma_wait3A] : memref<2x10112x128xf32, #tpu.memory_space<hbm>> -> memref<1x632x128xf32, #tpu.memory_space<hbm>>
      %dma_wait3A_17 = tpu.memref_squeeze %dma_wait3A_16 : memref<1x632x128xf32, #tpu.memory_space<hbm>> -> memref<632x128xf32, #tpu.memory_space<hbm>>
      %dma_wait3A_18 = arith.constant 0 : i32
      %dma_wait3A_19 = tpu.memref_slice %arg13[%mul3A_2, %dma_wait3A_18] : memref<10112x128xf32, #tpu.memory_space<vmem_shared>> -> memref<632x128xf32, #tpu.memory_space<vmem_shared>>
      tpu.wait_dma2 semaphore(%run_scoped3A : memref<!tpu.dma_semaphore, #tpu.memory_space<semaphore_mem>>) src(%dma_wait3A_19 : memref<632x128xf32, #tpu.memory_space<vmem_shared>>) dst(%dma_wait3A_17 : memref<632x128xf32, #tpu.memory_space<hbm>>)
      tpu.yield
    }) : () -> ()
    return
  }
}

module attributes {stable_mosaic.version = 14 : i64} {
  func.func @_conv1_body(%arg0: i32, %arg1: memref<1000x128xf32, #tpu.memory_space<vmem>>, %arg2: memref<1000x128xf32, #tpu.memory_space<vmem>>, %arg3: memref<32x1000x1xf32, #tpu.memory_space<vmem>>, %arg4: memref<1000x128xf32, #tpu.memory_space<vmem>>, %arg5: memref<128x128xf32, #tpu.memory_space<vmem>>, %arg6: memref<128x128xf32, #tpu.memory_space<vmem>>, %arg7: memref<128xf32, #tpu.memory_space<vmem>>, %arg8: memref<1000x128xf32, #tpu.memory_space<vmem>>, %arg9: memref<1x1x128xf32, #tpu.memory_space<vmem>>) attributes {dimension_semantics = [#tpu.dimension_semantics<arbitrary>], iteration_bounds = array<i64: 10>, scalar_prefetch = 0 : i64, scratch_operands = 0 : i64, tpu.core_type = #tpu.core_type<tc>, window_params = [{transform_indices = @transform_0, window_bounds = array<i64: 1000, 128>}, {transform_indices = @transform_1, window_bounds = array<i64: 1000, 128>}, {transform_indices = @transform_2, window_bounds = array<i64: 32, 1000, 1>}, {transform_indices = @transform_3, window_bounds = array<i64: 1000, 128>}, {pipeline_mode = #tpu.pipeline_mode<synchronous>, transform_indices = @transform_4, window_bounds = array<i64: 128, 128>}, {pipeline_mode = #tpu.pipeline_mode<synchronous>, transform_indices = @transform_5, window_bounds = array<i64: 128, 128>}, {pipeline_mode = #tpu.pipeline_mode<synchronous>, transform_indices = @transform_6, window_bounds = array<i64: 128>}, {transform_indices = @transform_7, window_bounds = array<i64: 1000, 128>}, {transform_indices = @transform_8, window_bounds = array<i64: 1, 1, 128>}]} {
    %get3A = arith.constant 0 : index
    %get3A_0 = arith.constant 0 : index
    %get3A_1 = arith.constant 0 : index
    %get3A_2 = vector.load %arg3[%get3A, %get3A_0, %get3A_1] : memref<32x1000x1xf32, #tpu.memory_space<vmem>>, vector<32x1000x1xf32>
    %reduce_sum3A = arith.constant dense<0.000000e+00> : vector<1000x1xf32>
    %reduce_sum3A_3 = vector.multi_reduction <add>, %get3A_2, %reduce_sum3A [0] : vector<32x1000x1xf32> to vector<1000x1xf32>
    %max3A = arith.constant 1.000000e+00 : f32
    %max3A_4 = vector.broadcast %max3A : f32 to vector<1000x1xf32>
    %max3A_5 = arith.maximumf %reduce_sum3A_3, %max3A_4 : vector<1000x1xf32>
    %get3A_6 = arith.constant 0 : index
    %get3A_7 = arith.constant 0 : index
    %get3A_8 = vector.load %arg1[%get3A_6, %get3A_7] : memref<1000x128xf32, #tpu.memory_space<vmem>>, vector<1000x128xf32>
    %get3A_9 = arith.constant 0 : index
    %get3A_10 = arith.constant 0 : index
    %get3A_11 = vector.load %arg2[%get3A_9, %get3A_10] : memref<1000x128xf32, #tpu.memory_space<vmem>>, vector<1000x128xf32>
    %add3A = arith.addf %get3A_8, %get3A_11 : vector<1000x128xf32>
    %div3A = vector.broadcast %max3A_5 : vector<1000x1xf32> to vector<1000x128xf32>
    %div3A_12 = arith.divf %add3A, %div3A : vector<1000x128xf32>
    %get3A_13 = arith.constant 0 : index
    %get3A_14 = arith.constant 0 : index
    %get3A_15 = vector.load %arg5[%get3A_13, %get3A_14] : memref<128x128xf32, #tpu.memory_space<vmem>>, vector<128x128xf32>
    %dot_general3A = arith.constant dense<0.000000e+00> : vector<1000x128xf32>
    %dot_general3A_16 = tpu.matmul %div3A_12, %get3A_15, %dot_general3A {dimension_numbers = #tpu.dot_dimension_numbers<[1], [0], [0], [1], [0, 0, 1, 1], [], []>, transpose_lhs_hint = false} : vector<1000x128xf32>, vector<128x128xf32>, vector<1000x128xf32> -> vector<1000x128xf32>
    %get3A_17 = arith.constant 0 : index
    %get3A_18 = arith.constant 0 : index
    %get3A_19 = vector.load %arg4[%get3A_17, %get3A_18] : memref<1000x128xf32, #tpu.memory_space<vmem>>, vector<1000x128xf32>
    %get3A_20 = arith.constant 0 : index
    %get3A_21 = arith.constant 0 : index
    %get3A_22 = vector.load %arg6[%get3A_20, %get3A_21] : memref<128x128xf32, #tpu.memory_space<vmem>>, vector<128x128xf32>
    %dot_general3A_23 = arith.constant dense<0.000000e+00> : vector<1000x128xf32>
    %dot_general3A_24 = tpu.matmul %get3A_19, %get3A_22, %dot_general3A_23 {dimension_numbers = #tpu.dot_dimension_numbers<[1], [0], [0], [1], [0, 0, 1, 1], [], []>, transpose_lhs_hint = false} : vector<1000x128xf32>, vector<128x128xf32>, vector<1000x128xf32> -> vector<1000x128xf32>
    %add3A_25 = arith.addf %dot_general3A_16, %dot_general3A_24 : vector<1000x128xf32>
    %get3A_26 = arith.constant 0 : index
    %get3A_27 = vector.load %arg7[%get3A_26] : memref<128xf32, #tpu.memory_space<vmem>>, vector<128xf32>
    %broadcast_in_dim3A = vector.shape_cast %get3A_27 : vector<128xf32> to vector<1x128xf32>
    %add3A_28 = vector.broadcast %broadcast_in_dim3A : vector<1x128xf32> to vector<1000x128xf32>
    %add3A_29 = arith.addf %add3A_25, %add3A_28 : vector<1000x128xf32>
    %swap3A = arith.constant 0 : index
    %swap3A_30 = arith.constant 0 : index
    %swap3A_31 = vector.load %arg8[%swap3A, %swap3A_30] : memref<1000x128xf32, #tpu.memory_space<vmem>>, vector<1000x128xf32>
    tpu.vector_store %arg8[%swap3A, %swap3A_30], %add3A_29 {strides = array<i32>} : memref<1000x128xf32, #tpu.memory_space<vmem>>, vector<1000x128xf32>,
    %reduce_sum3A_32 = arith.constant dense<0.000000e+00> : vector<128xf32>
    %reduce_sum3A_33 = vector.multi_reduction <add>, %add3A_29, %reduce_sum3A_32 [0] : vector<1000x128xf32> to vector<128xf32>
    %broadcast_in_dim3A_34 = vector.shape_cast %reduce_sum3A_33 : vector<128xf32> to vector<1x128xf32>
    %div3A_35 = arith.constant 1.000000e+03 : f32
    %div3A_36 = vector.broadcast %div3A_35 : f32 to vector<1x128xf32>
    %div3A_37 = arith.divf %broadcast_in_dim3A_34, %div3A_36 : vector<1x128xf32>
    %broadcast_in_dim3A_38 = vector.shape_cast %div3A_37 : vector<1x128xf32> to vector<1x1x128xf32>
    %swap3A_39 = arith.constant 0 : index
    %swap3A_40 = arith.constant 0 : index
    %swap3A_41 = arith.constant 0 : index
    %swap3A_42 = vector.load %arg9[%swap3A_39, %swap3A_40, %swap3A_41] : memref<1x1x128xf32, #tpu.memory_space<vmem>>, vector<1x1x128xf32>
    tpu.vector_store %arg9[%swap3A_39, %swap3A_40, %swap3A_41], %broadcast_in_dim3A_38 {strides = array<i32>} : memref<1x1x128xf32, #tpu.memory_space<vmem>>, vector<1x1x128xf32>,
    return
  }
  func.func @transform_0(%arg0: i32) -> (i32, i32) {
    %c0_i32 = arith.constant 0 : i32
    %c0_i32_0 = arith.constant 0 : i32
    return %arg0, %c0_i32 : i32, i32
  }
  func.func @transform_1(%arg0: i32) -> (i32, i32) {
    %c0_i32 = arith.constant 0 : i32
    %c0_i32_0 = arith.constant 0 : i32
    return %arg0, %c0_i32 : i32, i32
  }
  func.func @transform_2(%arg0: i32) -> (i32, i32, i32) {
    %c0_i32 = arith.constant 0 : i32
    %c0_i32_0 = arith.constant 0 : i32
    %c0_i32_1 = arith.constant 0 : i32
    return %c0_i32, %arg0, %c0_i32_0 : i32, i32, i32
  }
  func.func @transform_3(%arg0: i32) -> (i32, i32) {
    %c0_i32 = arith.constant 0 : i32
    %c0_i32_0 = arith.constant 0 : i32
    return %arg0, %c0_i32 : i32, i32
  }
  func.func @transform_4(%arg0: i32) -> (i32, i32) {
    %c0_i32 = arith.constant 0 : i32
    %c0_i32_0 = arith.constant 0 : i32
    %c0_i32_1 = arith.constant 0 : i32
    return %c0_i32, %c0_i32_0 : i32, i32
  }
  func.func @transform_5(%arg0: i32) -> (i32, i32) {
    %c0_i32 = arith.constant 0 : i32
    %c0_i32_0 = arith.constant 0 : i32
    %c0_i32_1 = arith.constant 0 : i32
    return %c0_i32, %c0_i32_0 : i32, i32
  }
  func.func @transform_6(%arg0: i32) -> i32 {
    %c0_i32 = arith.constant 0 : i32
    %c0_i32_0 = arith.constant 0 : i32
    return %c0_i32 : i32
  }
  func.func @transform_7(%arg0: i32) -> (i32, i32) {
    %c0_i32 = arith.constant 0 : i32
    %c0_i32_0 = arith.constant 0 : i32
    return %arg0, %c0_i32 : i32, i32
  }
  func.func @transform_8(%arg0: i32) -> (i32, i32, i32) {
    %c0_i32 = arith.constant 0 : i32
    %c0_i32_0 = arith.constant 0 : i32
    %c0_i32_1 = arith.constant 0 : i32
    return %arg0, %c0_i32, %c0_i32_0 : i32, i32, i32
  }
}

module attributes {stable_mosaic.version = 14 : i64} {
  func.func @_tail_body(%arg0: i32, %arg1: memref<1000x128xf32, #tpu.memory_space<vmem>>, %arg2: memref<1000x128xf32, #tpu.memory_space<vmem>>, %arg3: memref<32x1000x1xf32, #tpu.memory_space<vmem>>, %arg4: memref<10x128xf32, #tpu.memory_space<vmem>>, %arg5: memref<128x128xf32, #tpu.memory_space<vmem>>, %arg6: memref<128x128xf32, #tpu.memory_space<vmem>>, %arg7: memref<128xf32, #tpu.memory_space<vmem>>, %arg8: memref<128x256xf32, #tpu.memory_space<vmem>>, %arg9: memref<256xf32, #tpu.memory_space<vmem>>, %arg10: memref<256x1000xf32, #tpu.memory_space<vmem>>, %arg11: memref<1000xf32, #tpu.memory_space<vmem>>, %arg12: memref<10x1000xf32, #tpu.memory_space<vmem>>, %arg13: memref<16x128xf32, #tpu.memory_space<vmem>>) attributes {dimension_semantics = [#tpu.dimension_semantics<arbitrary>], iteration_bounds = array<i64: 10>, scalar_prefetch = 0 : i64, scratch_operands = 1 : i64, tpu.core_type = #tpu.core_type<tc>, window_params = [{transform_indices = @transform_0, window_bounds = array<i64: 1000, 128>}, {transform_indices = @transform_1, window_bounds = array<i64: 1000, 128>}, {transform_indices = @transform_2, window_bounds = array<i64: 32, 1000, 1>}, {pipeline_mode = #tpu.pipeline_mode<synchronous>, transform_indices = @transform_3, window_bounds = array<i64: 10, 128>}, {pipeline_mode = #tpu.pipeline_mode<synchronous>, transform_indices = @transform_4, window_bounds = array<i64: 128, 128>}, {pipeline_mode = #tpu.pipeline_mode<synchronous>, transform_indices = @transform_5, window_bounds = array<i64: 128, 128>}, {pipeline_mode = #tpu.pipeline_mode<synchronous>, transform_indices = @transform_6, window_bounds = array<i64: 128>}, {pipeline_mode = #tpu.pipeline_mode<synchronous>, transform_indices = @transform_7, window_bounds = array<i64: 128, 256>}, {pipeline_mode = #tpu.pipeline_mode<synchronous>, transform_indices = @transform_8, window_bounds = array<i64: 256>}, {pipeline_mode = #tpu.pipeline_mode<synchronous>, transform_indices = @transform_9, window_bounds = array<i64: 256, 1000>}, {pipeline_mode = #tpu.pipeline_mode<synchronous>, transform_indices = @transform_10, window_bounds = array<i64: 1000>}, {pipeline_mode = #tpu.pipeline_mode<synchronous>, transform_indices = @transform_11, window_bounds = array<i64: 10, 1000>}]} {
    %get3A = arith.constant 0 : index
    %get3A_0 = arith.constant 0 : index
    %get3A_1 = arith.constant 0 : index
    %get3A_2 = vector.load %arg3[%get3A, %get3A_0, %get3A_1] : memref<32x1000x1xf32, #tpu.memory_space<vmem>>, vector<32x1000x1xf32>
    %reduce_sum3A = arith.constant dense<0.000000e+00> : vector<1000x1xf32>
    %reduce_sum3A_3 = vector.multi_reduction <add>, %get3A_2, %reduce_sum3A [0] : vector<32x1000x1xf32> to vector<1000x1xf32>
    %max3A = arith.constant 1.000000e+00 : f32
    %max3A_4 = vector.broadcast %max3A : f32 to vector<1000x1xf32>
    %max3A_5 = arith.maximumf %reduce_sum3A_3, %max3A_4 : vector<1000x1xf32>
    %get3A_6 = arith.constant 0 : index
    %get3A_7 = arith.constant 0 : index
    %get3A_8 = vector.load %arg1[%get3A_6, %get3A_7] : memref<1000x128xf32, #tpu.memory_space<vmem>>, vector<1000x128xf32>
    %get3A_9 = arith.constant 0 : index
    %get3A_10 = arith.constant 0 : index
    %get3A_11 = vector.load %arg2[%get3A_9, %get3A_10] : memref<1000x128xf32, #tpu.memory_space<vmem>>, vector<1000x128xf32>
    %add3A = arith.addf %get3A_8, %get3A_11 : vector<1000x128xf32>
    %div3A = vector.broadcast %max3A_5 : vector<1000x1xf32> to vector<1000x128xf32>
    %div3A_12 = arith.divf %add3A, %div3A : vector<1000x128xf32>
    %reduce_sum3A_13 = arith.constant dense<0.000000e+00> : vector<128xf32>
    %reduce_sum3A_14 = vector.multi_reduction <add>, %div3A_12, %reduce_sum3A_13 [0] : vector<1000x128xf32> to vector<128xf32>
    %broadcast_in_dim3A = vector.shape_cast %reduce_sum3A_14 : vector<128xf32> to vector<1x128xf32>
    %div3A_15 = arith.constant 1.000000e+03 : f32
    %div3A_16 = vector.broadcast %div3A_15 : f32 to vector<1x128xf32>
    %div3A_17 = arith.divf %broadcast_in_dim3A, %div3A_16 : vector<1x128xf32>
    %swap3A = arith.index_cast %arg0 : i32 to index
    %swap3A_18 = arith.constant 0 : index
    %swap3A_19 = vector.load %arg13[%swap3A, %swap3A_18] : memref<16x128xf32, #tpu.memory_space<vmem>>, vector<1x128xf32>
    tpu.vector_store %arg13[%swap3A, %swap3A_18], %div3A_17 {strides = array<i32>} : memref<16x128xf32, #tpu.memory_space<vmem>>, vector<1x128xf32>,
    %eq3A = arith.constant 9 : i32
    %eq3A_20 = arith.cmpi eq, %arg0, %eq3A : i32
    %convert_element_type3A = arith.extui %eq3A_20 : i1 to i32
    %cond3A = arith.constant 0 : i32
    %cond3A_21 = arith.cmpi ne, %convert_element_type3A, %cond3A : i32
    scf.if %cond3A_21 {
      %get3A_22 = arith.constant 0 : index
      %get3A_23 = arith.constant 0 : index
      %get3A_24 = vector.load %arg13[%get3A_22, %get3A_23] : memref<16x128xf32, #tpu.memory_space<vmem>>, vector<10x128xf32>
      %get3A_25 = arith.constant 0 : index
      %get3A_26 = arith.constant 0 : index
      %get3A_27 = vector.load %arg5[%get3A_25, %get3A_26] : memref<128x128xf32, #tpu.memory_space<vmem>>, vector<128x128xf32>
      %dot_general3A = arith.constant dense<0.000000e+00> : vector<10x128xf32>
      %dot_general3A_28 = tpu.matmul %get3A_24, %get3A_27, %dot_general3A {dimension_numbers = #tpu.dot_dimension_numbers<[1], [0], [0], [1], [0, 0, 1, 1], [], []>, transpose_lhs_hint = false} : vector<10x128xf32>, vector<128x128xf32>, vector<10x128xf32> -> vector<10x128xf32>
      %get3A_29 = arith.constant 0 : index
      %get3A_30 = arith.constant 0 : index
      %get3A_31 = vector.load %arg4[%get3A_29, %get3A_30] : memref<10x128xf32, #tpu.memory_space<vmem>>, vector<10x128xf32>
      %get3A_32 = arith.constant 0 : index
      %get3A_33 = arith.constant 0 : index
      %get3A_34 = vector.load %arg6[%get3A_32, %get3A_33] : memref<128x128xf32, #tpu.memory_space<vmem>>, vector<128x128xf32>
      %dot_general3A_35 = arith.constant dense<0.000000e+00> : vector<10x128xf32>
      %dot_general3A_36 = tpu.matmul %get3A_31, %get3A_34, %dot_general3A_35 {dimension_numbers = #tpu.dot_dimension_numbers<[1], [0], [0], [1], [0, 0, 1, 1], [], []>, transpose_lhs_hint = false} : vector<10x128xf32>, vector<128x128xf32>, vector<10x128xf32> -> vector<10x128xf32>
      %add3A_37 = arith.addf %dot_general3A_28, %dot_general3A_36 : vector<10x128xf32>
      %get3A_38 = arith.constant 0 : index
      %get3A_39 = vector.load %arg7[%get3A_38] : memref<128xf32, #tpu.memory_space<vmem>>, vector<128xf32>
      %broadcast_in_dim3A_40 = vector.shape_cast %get3A_39 : vector<128xf32> to vector<1x128xf32>
      %add3A_41 = vector.broadcast %broadcast_in_dim3A_40 : vector<1x128xf32> to vector<10x128xf32>
      %add3A_42 = arith.addf %add3A_37, %add3A_41 : vector<10x128xf32>
      %get3A_43 = arith.constant 0 : index
      %get3A_44 = arith.constant 0 : index
      %get3A_45 = vector.load %arg8[%get3A_43, %get3A_44] : memref<128x256xf32, #tpu.memory_space<vmem>>, vector<128x256xf32>
      %dot_general3A_46 = arith.constant dense<0.000000e+00> : vector<10x256xf32>
      %dot_general3A_47 = tpu.matmul %add3A_42, %get3A_45, %dot_general3A_46 {dimension_numbers = #tpu.dot_dimension_numbers<[1], [0], [0], [1], [0, 0, 1, 1], [], []>, transpose_lhs_hint = false} : vector<10x128xf32>, vector<128x256xf32>, vector<10x256xf32> -> vector<10x256xf32>
      %get3A_48 = arith.constant 0 : index
      %get3A_49 = vector.load %arg9[%get3A_48] : memref<256xf32, #tpu.memory_space<vmem>>, vector<256xf32>
      %broadcast_in_dim3A_50 = vector.shape_cast %get3A_49 : vector<256xf32> to vector<1x256xf32>
      %add3A_51 = vector.broadcast %broadcast_in_dim3A_50 : vector<1x256xf32> to vector<10x256xf32>
      %add3A_52 = arith.addf %dot_general3A_47, %add3A_51 : vector<10x256xf32>
      %max3A_53 = arith.constant 0.000000e+00 : f32
      %max3A_54 = vector.broadcast %max3A_53 : f32 to vector<10x256xf32>
      %max3A_55 = arith.maximumf %add3A_52, %max3A_54 : vector<10x256xf32>
      %get3A_56 = arith.constant 0 : index
      %get3A_57 = arith.constant 0 : index
      %get3A_58 = vector.load %arg10[%get3A_56, %get3A_57] : memref<256x1000xf32, #tpu.memory_space<vmem>>, vector<256x1000xf32>
      %dot_general3A_59 = arith.constant dense<0.000000e+00> : vector<10x1000xf32>
      %dot_general3A_60 = tpu.matmul %max3A_55, %get3A_58, %dot_general3A_59 {dimension_numbers = #tpu.dot_dimension_numbers<[1], [0], [0], [1], [0, 0, 1, 1], [], []>, transpose_lhs_hint = false} : vector<10x256xf32>, vector<256x1000xf32>, vector<10x1000xf32> -> vector<10x1000xf32>
      %get3A_61 = arith.constant 0 : index
      %get3A_62 = vector.load %arg11[%get3A_61] : memref<1000xf32, #tpu.memory_space<vmem>>, vector<1000xf32>
      %broadcast_in_dim3A_63 = vector.shape_cast %get3A_62 : vector<1000xf32> to vector<1x1000xf32>
      %add3A_64 = vector.broadcast %broadcast_in_dim3A_63 : vector<1x1000xf32> to vector<10x1000xf32>
      %add3A_65 = arith.addf %dot_general3A_60, %add3A_64 : vector<10x1000xf32>
      %swap3A_66 = arith.constant 0 : index
      %swap3A_67 = arith.constant 0 : index
      %swap3A_68 = vector.load %arg12[%swap3A_66, %swap3A_67] : memref<10x1000xf32, #tpu.memory_space<vmem>>, vector<10x1000xf32>
      tpu.vector_store %arg12[%swap3A_66, %swap3A_67], %add3A_65 {strides = array<i32>} : memref<10x1000xf32, #tpu.memory_space<vmem>>, vector<10x1000xf32>,
    } else {
    }
    return
  }
  func.func @transform_0(%arg0: i32) -> (i32, i32) {
    %c0_i32 = arith.constant 0 : i32
    %c0_i32_0 = arith.constant 0 : i32
    return %arg0, %c0_i32 : i32, i32
  }
  func.func @transform_1(%arg0: i32) -> (i32, i32) {
    %c0_i32 = arith.constant 0 : i32
    %c0_i32_0 = arith.constant 0 : i32
    return %arg0, %c0_i32 : i32, i32
  }
  func.func @transform_2(%arg0: i32) -> (i32, i32, i32) {
    %c0_i32 = arith.constant 0 : i32
    %c0_i32_0 = arith.constant 0 : i32
    %c0_i32_1 = arith.constant 0 : i32
    return %c0_i32, %arg0, %c0_i32_0 : i32, i32, i32
  }
  func.func @transform_3(%arg0: i32) -> (i32, i32) {
    %c0_i32 = arith.constant 0 : i32
    %c0_i32_0 = arith.constant 0 : i32
    %c0_i32_1 = arith.constant 0 : i32
    return %c0_i32, %c0_i32_0 : i32, i32
  }
  func.func @transform_4(%arg0: i32) -> (i32, i32) {
    %c0_i32 = arith.constant 0 : i32
    %c0_i32_0 = arith.constant 0 : i32
    %c0_i32_1 = arith.constant 0 : i32
    return %c0_i32, %c0_i32_0 : i32, i32
  }
  func.func @transform_5(%arg0: i32) -> (i32, i32) {
    %c0_i32 = arith.constant 0 : i32
    %c0_i32_0 = arith.constant 0 : i32
    %c0_i32_1 = arith.constant 0 : i32
    return %c0_i32, %c0_i32_0 : i32, i32
  }
  func.func @transform_6(%arg0: i32) -> i32 {
    %c0_i32 = arith.constant 0 : i32
    %c0_i32_0 = arith.constant 0 : i32
    return %c0_i32 : i32
  }
  func.func @transform_7(%arg0: i32) -> (i32, i32) {
    %c0_i32 = arith.constant 0 : i32
    %c0_i32_0 = arith.constant 0 : i32
    %c0_i32_1 = arith.constant 0 : i32
    return %c0_i32, %c0_i32_0 : i32, i32
  }
  func.func @transform_8(%arg0: i32) -> i32 {
    %c0_i32 = arith.constant 0 : i32
    %c0_i32_0 = arith.constant 0 : i32
    return %c0_i32 : i32
  }
  func.func @transform_9(%arg0: i32) -> (i32, i32) {
    %c0_i32 = arith.constant 0 : i32
    %c0_i32_0 = arith.constant 0 : i32
    %c0_i32_1 = arith.constant 0 : i32
    return %c0_i32, %c0_i32_0 : i32, i32
  }
  func.func @transform_10(%arg0: i32) -> i32 {
    %c0_i32 = arith.constant 0 : i32
    %c0_i32_0 = arith.constant 0 : i32
    return %c0_i32 : i32
  }
  func.func @transform_11(%arg0: i32) -> (i32, i32) {
    %c0_i32 = arith.constant 0 : i32
    %c0_i32_0 = arith.constant 0 : i32
    %c0_i32_1 = arith.constant 0 : i32
    return %c0_i32, %c0_i32_0 : i32, i32
  }
}

</mosaic_0001>

<sc_bundles>
// kernel: kernel.6.cloned.1.call-start
scs
__scs_entry_jumppad:
0x0: {  	(pc) =	sbr.rel $0x88, $3  }
0x1: {  	(tag) =	ssettag $0x0;
	lr =	simm.s32 $0x1  }
0x2: {  	[smem:$0x3F95] =	sst lr;
	_ =	strace $0xD0000000  }
0x3: {  	_ = 	snop  }
0x4: {  	_ = 	snop  }
0x5: {  	_ = 	snop  }
0x6: {  	_ = 	snop  }
0x7: {  	_ = 	snop  }
__scs_overlays_trampoline_lowered:
0x8: {  	[smem:$0x3FA4] =	sst s0  }
0x9: {  	[smem:$0x3FA5] =	sst s1  }
0xa: {  	[smem:$0x3FA6] =	sst s2  }
0xb: {  	[smem:$0x3FA7] =	sst s3  }
0xc: {  	[smem:$0x3FA8] =	sst s4  }
0xd: {  	[smem:$0x3FA9] =	sst s5  }
0xe: {  	[smem:$0x3FAA] =	sst s6  }
0xf: {  	[smem:$0x3FAB] =	sst s7  }
0x10: {  	[smem:$0x3FAC] =	sst s8  }
0x11: {  	[smem:$0x3FAD] =	sst s9;
	s0 =	simm.s32 @!p0 $0x0  }
0x12: {  	s1 =	sld [smem:$0x3F93];
	s0 =	simm.s32 @p0 $0x1  }
0x13: {  	[smem:$0x3FAE] =	sst s0;
	s0 =	simm.s32 @!p1 $0x0  }
0x14: {  	s2 =	sld [smem:$0x3F92];
	s0 =	simm.s32 @p1 $0x1  }
0x15: {  	[smem:$0x3FAF] =	sst s0;
	s0 =	simm.s32 @!p2 $0x0  }
0x16: {  	s3 =	sld [smem:$0x3FDB];
	s0 =	simm.s32 @p2 $0x1  }
0x17: {  	s4 =	simm.s32 $0x1BF5;
	[smem:$0x3FB1] =	sst s0  }
0x18: {  	s0 =	sld [smem:$0x3F94];
	_ =	swait.ge [sflag:s4], $0x0  }
0x19: {  	s7 =	sld [smem:$0x3F95]  }
0x1a: {  	s8 =	sadd.s32 $0xFFFFE003, lr  }
0x1b: {  	s9 =	sadd.s32 $0xFFFFFEF7, lr;
	s5 =	simm.s32 $0xFFFFFFFF;
	p2 =	slt.u32 s8, $0xFFFFF086  }
0x1c: {  	p1 =	slt.u32 s9, $0xF7A;
	s5 =	simm.s32 @!p2 $0x0  }
0x1d: {  	s5 =	simm.s32 @p1 $0x1;
	p0 =	seq.s32 s7, s2  }
0x1e: {  	s7 =	smul.u32 @!p0 $0xF7A, s2;
	p2 =	seq.s32 @!p0 s5, $0x0  }
0x1f: {  	s9 =	smul.u32 $0xF7A, s1;
	s8 =	simm.s32 @!p0 $0x1BF5;
	p2 =	por !p2, p0  }
0x20: {  	[sflag:s8] =	ssyncset.s32 @!p0 $0xFFFFF086;
	s6 =	sadd.s32 @!p0 s3, s7;
	s7 =	simm.s32 @!p0 $0x108  }
0x21: {  	s3 =	sadd.s32 s3, s9;
	s6 =	sadd.s32 @!p0 $0x88, s6;
	s7 =	simm.s32 @p2 $0x1082  }
0x22: {  	[simem:s7], [sflag:s8] =	dma.local @!p0 [hbm:s6], $0xF7A  }
0x23: {  	s9 =	sor.u32 $0xD0000000, s2;
	s6 =	simm.s32 $0x108;
	_ =	swait.ge @!p0 [sflag:s8], $0x0  }
0x24: {  	s3 =	sadd.s32 $0x88, s3;
	s6 =	simm.s32 @!p1 $0x1082;
	[sflag:s4] =	ssyncset.s32 $0xFFFFF086  }
0x25: {  	[simem:s6], [sflag:s4] =	dma.local [hbm:s3], $0xF7A  }
0x26: {  	[smem:$0x3F95] =	sst s1;
	(tag) =	ssettag s2;
	_ =	strace s9  }
0x27: {  	s1 =	sld [smem:$0x3FA5]  }
0x28: {  	s2 =	sld [smem:$0x3FA6]  }
0x29: {  	s4 =	sld [smem:$0x3FA8]  }
0x2a: {  	p0 =	seq.s32 s5, $0x0;
	s5 =	sld [smem:$0x3FA9]  }
0x2b: {  	s6 =	sld [smem:$0x3FAA]  }
0x2c: {  	s7 =	sld [smem:$0x3FAB]  }
0x2d: {  	s3 =	simm.s32 $0x108;
	s8 =	sld [smem:$0x3FAC]  }
0x2e: {  	s3 =	simm.s32 @!p0 $0x1082;
	s9 =	sld [smem:$0x3FAD]  }
0x2f: {  	lr =	sadd.s32 s0, s3;
	s0 =	sld [smem:$0x3FA4]  }
0x30: {  	s3 =	sld [smem:$0x3FA7]  }
0x31: {  	[smem:$0x3FB0] =	sst s10  }
0x32: {  	s10 =	sld [smem:$0x3FAE];
	_ =	sdelay $0x3  }
0x33: {  	p0 =	seq.s32 s10, $0x1;
	s10 =	sld [smem:$0x3FB0];
	_ =	sdelay $0x3  }
0x34: {  	[smem:$0x3FB0] =	sst s10  }
0x35: {  	s10 =	sld [smem:$0x3FAF];
	_ =	sdelay $0x3  }
0x36: {  	p1 =	seq.s32 s10, $0x1;
	s10 =	sld [smem:$0x3FB0];
	_ =	sdelay $0x3  }
0x37: {  	[smem:$0x3FB0] =	sst s10  }
0x38: {  	s10 =	sld [smem:$0x3FB1]  }
0x39: {  	_ = 	snop;
	(pc) =	sbr.ind lr, $3  }
0x3a: {  	_ = 	snop  }
0x3b: {  	_ = 	snop  }
0x3c: {  	p2 =	seq.s32 s10, $0x1;
	s10 =	sld [smem:$0x3FB0]  }
0x3d: {  	_ =	shalt  }
0x3e: {  	_ =	shalt  }
0x3f: {  	_ =	shalt  }
0x40: {  	_ =	shalt  }
0x41: {  	_ =	shalt  }
0x42: {  	_ =	shalt  }
0x43: {  	_ =	shalt  }
0x44: {  	_ =	shalt  }
0x45: {  	_ =	shalt  }
0x46: {  	_ =	shalt  }
0x47: {  	_ =	shalt  }
0x48: {  	_ =	shalt  }
0x49: {  	_ =	shalt  }
0x4a: {  	_ =	shalt  }
0x4b: {  	_ =	shalt  }
0x4c: {  	_ =	shalt  }
0x4d: {  	_ =	shalt  }
0x4e: {  	_ =	shalt  }
0x4f: {  	_ =	shalt  }
0x50: {  	_ =	shalt  }
0x51: {  	_ =	shalt  }
0x52: {  	_ =	shalt  }
0x53: {  	_ =	shalt  }
0x54: {  	_ =	shalt  }
0x55: {  	_ =	shalt  }
0x56: {  	_ =	shalt  }
0x57: {  	_ =	shalt  }
0x58: {  	_ =	shalt  }
0x59: {  	_ =	shalt  }
0x5a: {  	_ =	shalt  }
0x5b: {  	_ =	shalt  }
0x5c: {  	_ =	shalt  }
0x5d: {  	_ =	shalt  }
0x5e: {  	_ =	shalt  }
0x5f: {  	_ =	shalt  }
0x60: {  	_ =	shalt  }
0x61: {  	_ =	shalt  }
0x62: {  	_ =	shalt  }
0x63: {  	_ =	shalt  }
0x64: {  	_ =	shalt  }
0x65: {  	_ =	shalt  }
0x66: {  	_ =	shalt  }
0x67: {  	_ =	shalt  }
0x68: {  	_ =	shalt  }
0x69: {  	_ =	shalt  }
0x6a: {  	_ =	shalt  }
0x6b: {  	_ =	shalt  }
0x6c: {  	_ =	shalt  }
0x6d: {  	_ =	shalt  }
0x6e: {  	_ =	shalt  }
0x6f: {  	_ =	shalt  }
0x70: {  	_ =	shalt  }
0x71: {  	_ =	shalt  }
0x72: {  	_ =	shalt  }
0x73: {  	_ =	shalt  }
0x74: {  	_ =	shalt  }
0x75: {  	_ =	shalt  }
0x76: {  	_ =	shalt  }
0x77: {  	_ =	shalt  }
0x78: {  	_ =	shalt  }
0x79: {  	_ =	shalt  }
0x7a: {  	_ =	shalt  }
0x7b: {  	_ =	shalt  }
0x7c: {  	_ =	shalt  }
0x7d: {  	_ =	shalt  }
0x7e: {  	_ =	shalt  }
0x7f: {  	_ =	shalt  }
0x80: {  	_ =	shalt  }
0x81: {  	_ =	shalt  }
0x82: {  	_ =	shalt  }
0x83: {  	_ =	shalt  }
0x84: {  	_ =	shalt  }
0x85: {  	_ =	shalt  }
0x86: {  	_ =	shalt  }
0x87: {  	_ =	shalt  }
.Lfunc_end0:
.L_simem_size_0:
called_computation_lowered:
.L_overlay_start_0:
0x88: {  	s2 =	sld [smem:$0x3FD9]  }
0x89: {  	s3 =	sld [smem:$0x3FFE];
	_ =	sdelay $0x1  }
0x8a: {  	s1 =	srdreg.scid  }
0x8b: {  	s0 =	sand.u32 $0x1, s1  }
0x8c: {  	s17 =	sshll.u32 s0, $0xA;
	s2 =	sadd.s32 s3, s2  }
0x8d: {  	s2 =	sadd.s32 s2, s17  }
0x8e: {  	[smem:$0x3FBC] =	sst s2  }
0x8f: {  	_ = 	snop  }
0x90: {  	s2 =	sld [smem:$0x3FC9]  }
0x91: {  	s18 =	sld [smem:$0x3FD0];
	(tm) =	ssettm $0x1  }
0x92: {  	s4 =	sld [smem:$0x3FFB];
	_ =	sdelay $0x3  }
0x93: {  	_ =	strace s4  }
0x94: {  	s4 =	sld [smem:$0x3FFC];
	_ =	sdelay $0x3  }
0x95: {  	_ =	strace s4  }
0x96: {  	s4 =	sld [smem:$0x3FFD];
	_ =	sdelay $0x3  }
0x97: {  	_ =	strace s4  }
0x98: {  	_ =	strace $0x8FFFFFFF  }
0x99: {  	s19 =	sld [smem:$0x3FDB];
	_ =	sdelay $0x1  }
0x9a: {  	s5 =	simm.s32 $_scs_section_size  }
0x9b: {  	s6 =	simm.s32 $_size__tile_overlayer_lowered;
	s7 =	simm.s32 $_tile_overlayer_lowered  }
0x9c: {  	s22 =	simm.s32 $0x1BFF;
	s21 =	sshll.u32 s7, $0x1;
	s4 =	sadd.s32 s5, s19  }
0x9d: {  	s8 =	simm.s32 $0x0;
	s20 =	sshll.u32 s6, $0x1;
	s6 =	sadd.s32 s21, s4  }
0x9e: {  	[timem:s8], [sflag:s22] =	dma.local [hbm:s6], s20  }
0x9f: {  	_ =	swait.ge [sflag:s22], s20  }
0xa0: {  	s5 =	ssub.s32 $0x0, s20;
	[sflag:s22] =	ssyncset.done $0x0  }
0xa1: {  	[sflag:s22] =	ssyncadd.s32 s5;
	_ =	sdelay $0x1  }
0xa2: {  	s23 =	simm.s32 $0x1B8B  }
0xa3: {  	_ =	swait.ge [sflag:s23], $0x1  }
0xa4: {  	[sflag:s23] =	ssyncset.done $0x0  }
0xa5: {  	s25 =	simm.s32 $0x1B8E;
	s24 =	sld [smem:$0x3FFE];
	[sflag:s23] =	ssyncadd.s32 $0xFFFFFFFF  }
0xa6: {  	s26 =	simm.s32 $execute0_lowered;
	[smem:$0x3FD2] =	sst s25  }
0xa7: {  	s6 =	sshll.u32 s26, $0x1;
	_ =	strace $0x80000046;
	[dreg:$0x1] =	wrdreg $0xFFFFFFFF  }
0xa8: {  	s28 =	simm.s32 $_size_execute0_lowered;
	s4 =	sadd.s32 s4, s6;
	[dreg:$0x0] =	wrdreg $0x0  }
0xa9: {  	s6 =	sshll.u32 s28, $0x1;
	[dreg:$0x2] =	wrdreg s4  }
0xaa: {  	[dreg:$0x3] =	wrdreg s6  }
0xab: {  	[dreg:$0x4] =	wrdreg $0xC0  }
0xac: {  	_ =	task [dreg:s8], $0x5FFFF  }
0xad: {  	[dreg:$0x1] =	wrdreg $0xFFFFFFFF  }
0xae: {  	[dreg:$0x0] =	wrdreg $0x60  }
0xaf: {  	[dreg:$0x2] =	wrdreg s2  }
0xb0: {  	[dreg:$0x3] =	wrdreg s24  }
0xb1: {  	[dreg:$0x4] =	wrdreg s18  }
0xb2: {  	[dreg:$0x5] =	wrdreg $0x42000  }
0xb3: {  	[dreg:$0x6] =	wrdreg $0x9  }
0xb4: {  	_ =	task.clear_ibuf [dreg:s8], $0x7FFFF;
	_ =	strace $0x90000046  }
0xb5: {  	s29 =	simm.s32 $0x9;
	_ =	strace $0x80000048  }
0xb6: {  	_ =	swait.ge [sflag:s29], $0x1  }
0xb7: {  	[sflag:s29] =	ssyncadd.s32 $0xFFFFFFFF  }
0xb8: {  	_ =	strace $0x90000048  }
0xb9: {  	_ =	sfence  }
0xba: {  	s30 =	sld [smem:$0x0];
	_ =	sdelay $0x2  }
0xbb: {  	s31 =	sshll.u32 s1, $0xD;
	s1 =	sshrl.u32 s1, $0x2  }
0xbc: {  	s3 =	sand.u32 $0x4000, s31;
	s1 =	sadd.s32 s1, s30  }
0xbd: {  	s0 =	sor.u32 s3, s0;
	s1 =	sshll.u32 s1, $0x11  }
0xbe: {  	s0 =	sor.u32 s1, s0  }
0xbf: {  	s0 =	sadd.s32 $0x8F2B, s0  }
0xc0: {  	[sflag:s0] =	ssyncadd.remote.s32 $0x1  }
0xc1: {  	_ =	sfence.sel $0xFFFF  }
0xc2: {  	[dreg:$0x0] =	wrdreg $0xFFFFFFFF;
	(pc) =	sbr.abs _section_cstart, $3  }
0xc3: {  	[dreg:$0x1] =	wrdreg $0xFFFFFFFF  }
0xc4: {  	_ =	task.clear_ibuf [dreg:s8], $0x2FFFF;
	_ =	strace $0x9FFFFFFF  }
0xc5: {  	(tm) =	ssettm $0x7FFFFFFF  }
tec
execute0_lowered:
.L_overlay_start_1:
0x0: {  	(tag) =	ssettag $0x1  }
0x1: {  	s1 =	rddreg [dreg:$0x0]  }
0x2: {  	s6 =	rddreg [dreg:$0x1]  }
0x3: {  	s3 =	rddreg [dreg:$0x2]  }
0x4: {  	s0 =	stileid.u32;
	s2 =	srdreg.scid  }
0x5: {  	s4 =	rddreg [dreg:$0x3];
	s7 =	smul.u32 $0x13C00, s0  }
0x6: {  	s5 =	simm.s32 $0x0;
	s8 =	sand.u32 $0x1, s2;
	s23 =	smul.u32 $0x4F000, s0  }
0x7: {  	[smem:$0x7FF] =	sst s5;
	s11 =	sshrl.u32 s0, $0x3;
	s29 =	smul.u32 $0x2800, s0  }
0x8: {  	s16 =	sadd.s32 $0x2A00, s6;
	s15 =	sadd.s32 $0xCA00, s6;
	s9 =	smul.u32 $0x13C000, s8  }
0x9: {  	s13 =	sshll.u32 s0, $0x7;
	s28 =	sshll.u32 s0, $0x6;
	s10 =	smul.u32 $0x27800, s8  }
0xa: {  	_ =	strace $0x80000047;
	s11 =	smul.u32 $0x13C00, s11;
	s21 =	sshll.u32 s8, $0x4  }
0xb: {  	s22 =	ssub.s32 $0x2, s8;
	s26 =	smul.u32 $0x28000, s8;
	s12 =	sshrl.u32 s7, $0x3  }
0xc: {  	s24 =	sshrl.u32 s22, $0x1;
	s25 =	sshrl.u32 s23, $0x2;
	s23 =	simm.s32 $0x180  }
0xd: {  	s7 =	sadd.s32 s7, s9;
	s10 =	sadd.s32 s10, s11;
	s11 =	sand.u32 $0x380, s13  }
0xe: {  	s12 =	sadd.s32 s12, s6;
	s17 =	ssub.s32 s22, s24;
	s18 =	sadd.s32 s25, s4  }
0xf: {  	s13 =	sadd.s32 s29, s26;
	s22 =	simm.s32 $0x200;
	s24 =	simm.s32 $0x1  }
0x10: {  	s25 =	simm.s32 $0x400;
	s26 =	simm.s32 $0x0;
	s7 =	sshrl.u32 s7, $0x3  }
0x11: {  	s9 =	sor.u32 s11, s10;
	s30 =	sor.u32 $0x100, s13;
	s31 =	sor.u32 $0x80, s13  }
0x12: {  	s19 =	sadd.s32 s7, s6;
	s20 =	sshrl.u32 s9, $0x3;
	s9 =	sor.u32 s0, s21  }
0x13: {  	s7 =	sor.u32 $0x1C02, s28;
	s21 =	simm.s32 $0x80;
	s14 =	sadd.s32 s20, s6  }
0x14: {  	s9 =	smul.u32 $0x2800, s9;
	s6 =	sadd.s32 $0x16A00, s12;
	s11 =	sadd.s32 $0x3E200, s19  }
0x15: {  	s12 =	smax.u32 s17, $0x1;
	s17 =	sshrl.u32 s31, $0x3;
	s19 =	simm.s32 $0x17E00  }
0x16: {  	s20 =	simm.s32 $0x100;
	s10 =	sadd.s32 $0x8D200, s14;
	s14 =	sshrl.u32 s30, $0x3  }
0x17: {  	s9 =	sshrl.u32 s9, $0x3;
	s13 =	sadd.s32 s14, s15;
	s14 =	sadd.s32 s14, s16  }
0x18: {  	s8 =	sadd.s32 s16, s9;
	s9 =	sadd.s32 s15, s9;
	s15 =	sadd.s32 s17, s15  }
0x19: {  	v0 =	vimm.f32 $1.000000000e+00;
	s16 =	sadd.s32 s17, s16;
	s17 =	sshrl.u32 s18, $0x3;
	s18 =	simm.s32 $0x2  }
.LBB2_1:
0x1a: {  	[spmem:s17], [sflag:s7] =	dma.local [hbm:s6], $0x2780  }
0x1b: {  	_ =	swait.ge [sflag:s18], $0x2780  }
0x1c: {  	[sflag:s18] =	ssyncset.done $0x0  }
0x1d: {  	[sflag:s18] =	ssyncadd.s32 $0xFFFFD880  }
0x1e: {  	[tilespmem:s19], [sflag:$0x2] =	stream.linear.gather [hbm4b:s3+s5], $0x2780, $0x38;
	[tilespmem:$0x1A580] =	vst v63  }
0x1f: {  	_ =	swait.ge [sflag:s18], $0x2780  }
0x20: {  	[sflag:s18] =	ssyncset.done $0x0  }
0x21: {  	[sflag:s18] =	ssyncadd.s32 $0xFFFFD880  }
0x22: {  	[bflag:$0x0] =	sbarrier.arrive $0xFFFF  }
0x23: {  	[tilespmem:s5], [sflag:$0x2] =	stream.linear.gather [hbm4b:s8+s5], $0x80, $0x38;
	[tilespmem:$0x1A580] =	vst v63  }
0x24: {  	_ =	swait.ge [sflag:s18], $0x80  }
0x25: {  	[sflag:s18] =	ssyncset.done $0x0  }
0x26: {  	[sflag:s18] =	ssyncadd.s32 $0xFFFFFF80  }
0x27: {  	[tilespmem:s20], [sflag:$0x2] =	stream.linear.gather [hbm4b:s9+s5], $0x80, $0x38;
	[tilespmem:$0x1A580] =	vst v63  }
0x28: {  	_ =	swait.ge [sflag:s18], $0x80  }
0x29: {  	[sflag:s18] =	ssyncset.done $0x0  }
0x2a: {  	s28 =	simm.s32 $0x0;
	[sflag:s18] =	ssyncadd.s32 $0xFFFFFF80  }
.LBB2_2:
0x2b: {  	[tilespmem:s22], [sflag:$0x1] =	stream.indirect.gather [hbm4b:s1+s21], $0x80, s5, s21, $0xb8;
	[tilespmem:$0x1A580] =	vst v63  }
0x2c: {  	s29 =	sadd.s32 s28, s16  }
0x2d: {  	[tilespmem:s21], [sflag:$0x2] =	stream.linear.gather [hbm4b:s29+s5], $0x80, $0x38;
	[tilespmem:$0x1A580] =	vst v63  }
0x2e: {  	_ =	swait.ge [sflag:s18], $0x80  }
0x2f: {  	[sflag:s18] =	ssyncset.done $0x0  }
0x30: {  	s31 =	sadd.s32 s28, s15;
	[sflag:s18] =	ssyncadd.s32 $0xFFFFFF80  }
0x31: {  	[tilespmem:s23], [sflag:$0x2] =	stream.linear.gather [hbm4b:s31+s5], $0x80, $0x38;
	[tilespmem:$0x1A580] =	vst v63  }
0x32: {  	_ =	swait.ge [sflag:s18], $0x80  }
0x33: {  	[sflag:s18] =	ssyncset.done $0x0  }
0x34: {  	[sflag:s18] =	ssyncadd.s32 $0xFFFFFF80  }
0x35: {  	_ =	swait.ge [sflag:s24], $0x4000  }
0x36: {  	[sflag:s24] =	ssyncset.done $0x0  }
0x37: {  	[sflag:s24] =	ssyncadd.s32 $0xFFFFC000  }
0x38: {  	[spmem:s4] =	stream.indirect.scatter.add.f32 [tilespmem:s22], [sflag:$0x2], $0x80, s20, s21, $0xb8;
	[tilespmem:$0x1A580] =	vst v63  }
0x39: {  	_ =	swait.ge [sflag:s18], $0x4000  }
0x3a: {  	[sflag:s18] =	ssyncset.done $0x0  }
0x3b: {  	[sflag:s18] =	ssyncadd.s32 $0xFFFFC000  }
0x3c: {  	v1 =	vld [tilespmem:$0x100];
	_ =	sdelay $0x7  }
0x3d: {  	[tilespmem:v1+s19+$0x0] =	vst.idx.add.f32.msk $0xffff, v0  }
0x3e: {  	v1 =	vld [tilespmem:$0x110];
	_ =	sdelay $0x7  }
0x3f: {  	[tilespmem:v1+s19+$0x0] =	vst.idx.add.f32.msk $0xffff, v0  }
0x40: {  	v1 =	vld [tilespmem:$0x120];
	_ =	sdelay $0x7  }
0x41: {  	[tilespmem:v1+s19+$0x0] =	vst.idx.add.f32.msk $0xffff, v0  }
0x42: {  	v1 =	vld [tilespmem:$0x130];
	_ =	sdelay $0x7  }
0x43: {  	[tilespmem:v1+s19+$0x0] =	vst.idx.add.f32.msk $0xffff, v0  }
0x44: {  	v1 =	vld [tilespmem:$0x140];
	_ =	sdelay $0x7  }
0x45: {  	[tilespmem:v1+s19+$0x0] =	vst.idx.add.f32.msk $0xffff, v0  }
0x46: {  	v1 =	vld [tilespmem:$0x150];
	_ =	sdelay $0x7  }
0x47: {  	[tilespmem:v1+s19+$0x0] =	vst.idx.add.f32.msk $0xffff, v0  }
0x48: {  	v1 =	vld [tilespmem:$0x160];
	_ =	sdelay $0x7  }
0x49: {  	[tilespmem:v1+s19+$0x0] =	vst.idx.add.f32.msk $0xffff, v0  }
0x4a: {  	v1 =	vld [tilespmem:$0x170];
	_ =	sdelay $0x7  }
0x4b: {  	p0 =	seq.s32 s28, $0x4E0;
	[tilespmem:v1+s19+$0x0] =	vst.idx.add.f32.msk $0xffff, v0  }
0x4c: {  	[tilespmem:s22], [sflag:$0x1] =	stream.indirect.gather [hbm4b:s1+s21], $0x80, s21, s21, $0xb8;
	[tilespmem:$0x1A580] =	vst v63  }
0x4d: {  	s30 =	simm.s32 @!p0 $0x0;
	s29 =	sadd.s32 @!p0 s28, s14  }
0x4e: {  	[tilespmem:s30], [sflag:$0x2] =	stream.linear.gather @!p0 [hbm4b:s29+s30], $0x80, $0x38;
	[tilespmem:$0x1A580] =	vst v63  }
0x4f: {  	s29 =	simm.s32 @!p0 $0x2  }
0x50: {  	_ =	swait.ge @!p0 [sflag:s29], $0x80  }
0x51: {  	[sflag:s29] =	ssyncset.done @!p0 $0x0  }
0x52: {  	s2 =	simm.s32 @!p0 $0x100;
	s31 =	sadd.s32 @!p0 s28, s13;
	[sflag:s29] =	ssyncadd.s32 @!p0 $0xFFFFFF80  }
0x53: {  	[tilespmem:s2], [sflag:$0x2] =	stream.linear.gather @!p0 [hbm4b:s31+s30], $0x80, $0x38;
	[tilespmem:$0x1A580] =	vst v63  }
0x54: {  	_ =	swait.ge @!p0 [sflag:s29], $0x80  }
0x55: {  	[sflag:s29] =	ssyncset.done @!p0 $0x0  }
0x56: {  	[sflag:s29] =	ssyncadd.s32 @!p0 $0xFFFFFF80  }
0x57: {  	_ =	swait.ge [sflag:s24], $0x4000  }
0x58: {  	[sflag:s24] =	ssyncset.done $0x0  }
0x59: {  	[sflag:s24] =	ssyncadd.s32 $0xFFFFC000  }
0x5a: {  	[spmem:s4] =	stream.indirect.scatter.add.f32 [tilespmem:s22], [sflag:$0x2], $0x80, s23, s21, $0xb8;
	[tilespmem:$0x1A580] =	vst v63  }
0x5b: {  	_ =	swait.ge [sflag:s18], $0x4000  }
0x5c: {  	[sflag:s18] =	ssyncset.done $0x0  }
0x5d: {  	[sflag:s18] =	ssyncadd.s32 $0xFFFFC000  }
0x5e: {  	v1 =	vld [tilespmem:$0x180];
	_ =	sdelay $0x7  }
0x5f: {  	[tilespmem:v1+s19+$0x0] =	vst.idx.add.f32.msk $0xffff, v0  }
0x60: {  	v1 =	vld [tilespmem:$0x190];
	_ =	sdelay $0x7  }
0x61: {  	[tilespmem:v1+s19+$0x0] =	vst.idx.add.f32.msk $0xffff, v0  }
0x62: {  	v1 =	vld [tilespmem:$0x1A0];
	_ =	sdelay $0x7  }
0x63: {  	[tilespmem:v1+s19+$0x0] =	vst.idx.add.f32.msk $0xffff, v0  }
0x64: {  	v1 =	vld [tilespmem:$0x1B0];
	_ =	sdelay $0x7  }
0x65: {  	[tilespmem:v1+s19+$0x0] =	vst.idx.add.f32.msk $0xffff, v0  }
0x66: {  	v1 =	vld [tilespmem:$0x1C0];
	_ =	sdelay $0x7  }
0x67: {  	[tilespmem:v1+s19+$0x0] =	vst.idx.add.f32.msk $0xffff, v0  }
0x68: {  	v1 =	vld [tilespmem:$0x1D0];
	_ =	sdelay $0x7  }
0x69: {  	[tilespmem:v1+s19+$0x0] =	vst.idx.add.f32.msk $0xffff, v0  }
0x6a: {  	v1 =	vld [tilespmem:$0x1E0];
	_ =	sdelay $0x7  }
0x6b: {  	[tilespmem:v1+s19+$0x0] =	vst.idx.add.f32.msk $0xffff, v0  }
0x6c: {  	v1 =	vld [tilespmem:$0x1F0];
	_ =	sdelay $0x1  }
0x6d: {  	s28 =	sadd.s32 $0x20, s28  }
0x6e: {  	p0 =	sne.s32 s28, $0x500  }
.Ltmp0:
0x6f: {  	_ = 	snop;
	(pc) =	sbr.rel @p0 .LBB2_2-.Ltmp0, $2  }
0x70: {  	_ =	sdelay $0x2  }
0x71: {  	[tilespmem:v1+s19+$0x0] =	vst.idx.add.f32.msk $0xffff, v0  }
0x72: {  	[hbm4b:s10+s21] =	stream.strided.scatter [tilespmem:s19], [sflag:$0x2], $0x2780, s25, s21, $0x38;
	[tilespmem:$0x1A580] =	vst v63  }
0x73: {  	_ =	swait.ge [sflag:s18], $0x2780  }
0x74: {  	s26 =	sadd.s32 $0x1, s26;
	[sflag:s18] =	ssyncset.done $0x0  }
0x75: {  	p0 =	sne.s32 s26, s12;
	[sflag:s18] =	ssyncadd.s32 $0xFFFFD880  }
.Ltmp1:
0x76: {  	[bflag:$0x0] =	sbarrier.arrive $0xFFFF;
	(pc) =	sbr.rel @p0 .LBB2_1-.Ltmp1, $4  }
0x77: {  	[hbm:s11], [sflag:s7] =	dma.local [spmem:s17], $0x2780  }
0x78: {  	_ =	swait.ge [sflag:s18], $0x2780  }
0x79: {  	[sflag:s18] =	ssyncset.done $0x0  }
0x7a: {  	[sflag:s18] =	ssyncadd.s32 $0xFFFFD880  }
0x7b: {  	_ =	sfence.sel $0x180000  }
0x7c: {  	[bflag:$0x0] =	sbarrier.arrive $0xFFFF  }
0x7d: {  	_ =	strace $0x90000047  }
0x7e: {  	[bflag:$0x2] =	sbarrier.arrive $0xFFFF  }
0x7f: {  	p0 =	sne.s32 s0, $0x0;
	s0 =	rddreg [dreg:$0x4]  }
0x80: {  	s0 =	sadd.s32 @!p0 $0x100000, s0  }
0x81: {  	[sflag:s0] =	ssyncadd.tile.s32 @!p0 $0x1;
	_ =	shalt  }
.Lfunc_end2:
_tile_overlayer_lowered:
.L_overlay_start_2:
0x82: {  	(tag) =	ssettag $0x2  }
0x83: {  	s0 =	rddreg [dreg:$0x0];
	s2 =	stileid.u32  }
0x84: {  	s1 =	rddreg [dreg:$0x1];
	p0 =	sne.s32 s2, $0x0  }
0x85: {  	s3 =	rddreg [dreg:$0x2];
	[bflag:$0x3] =	sbarrier.arrive $0xFFFF;
	s2 =	simm.s32 @!p0 $0x1C02  }
0x86: {  	[timem:s3], [sflag:s2] =	dma.local @!p0 [hbm:s0], s1  }
0x87: {  	s0 =	simm.s32 @!p0 $0x2  }
0x88: {  	_ =	swait.ge @!p0 [sflag:s0], s1  }
0x89: {  	s1 =	ssub.s32 @!p0 $0x0, s1;
	[sflag:s0] =	ssyncset.done @!p0 $0x0  }
0x8a: {  	[sflag:s0] =	ssyncadd.s32 @!p0 s1  }
0x8b: {  	[bflag:$0x3] =	sbarrier.arrive $0xFFFF  }
0x8c: {  	_ =	shalt  }

// kernel: kernel.9.cloned.1.call-start
scs
__scs_entry_jumppad:
0x0: {  	(pc) =	sbr.rel $0x88, $3  }
0x1: {  	(tag) =	ssettag $0x0;
	lr =	simm.s32 $0x1  }
0x2: {  	[smem:$0x3F95] =	sst lr;
	_ =	strace $0xD0000000  }
0x3: {  	_ = 	snop  }
0x4: {  	_ = 	snop  }
0x5: {  	_ = 	snop  }
0x6: {  	_ = 	snop  }
0x7: {  	_ = 	snop  }
__scs_overlays_trampoline_lowered:
0x8: {  	[smem:$0x3FA4] =	sst s0  }
0x9: {  	[smem:$0x3FA5] =	sst s1  }
0xa: {  	[smem:$0x3FA6] =	sst s2  }
0xb: {  	[smem:$0x3FA7] =	sst s3  }
0xc: {  	[smem:$0x3FA8] =	sst s4  }
0xd: {  	[smem:$0x3FA9] =	sst s5  }
0xe: {  	[smem:$0x3FAA] =	sst s6  }
0xf: {  	[smem:$0x3FAB] =	sst s7  }
0x10: {  	[smem:$0x3FAC] =	sst s8  }
0x11: {  	[smem:$0x3FAD] =	sst s9;
	s0 =	simm.s32 @!p0 $0x0  }
0x12: {  	s1 =	sld [smem:$0x3F93];
	s0 =	simm.s32 @p0 $0x1  }
0x13: {  	[smem:$0x3FAE] =	sst s0;
	s0 =	simm.s32 @!p1 $0x0  }
0x14: {  	s2 =	sld [smem:$0x3F92];
	s0 =	simm.s32 @p1 $0x1  }
0x15: {  	[smem:$0x3FAF] =	sst s0;
	s0 =	simm.s32 @!p2 $0x0  }
0x16: {  	s3 =	sld [smem:$0x3FDB];
	s0 =	simm.s32 @p2 $0x1  }
0x17: {  	s4 =	simm.s32 $0x1BF5;
	[smem:$0x3FB1] =	sst s0  }
0x18: {  	s0 =	sld [smem:$0x3F94];
	_ =	swait.ge [sflag:s4], $0x0  }
0x19: {  	s7 =	sld [smem:$0x3F95]  }
0x1a: {  	s8 =	sadd.s32 $0xFFFFE003, lr  }
0x1b: {  	s9 =	sadd.s32 $0xFFFFFEF7, lr;
	s5 =	simm.s32 $0xFFFFFFFF;
	p2 =	slt.u32 s8, $0xFFFFF086  }
0x1c: {  	p1 =	slt.u32 s9, $0xF7A;
	s5 =	simm.s32 @!p2 $0x0  }
0x1d: {  	s5 =	simm.s32 @p1 $0x1;
	p0 =	seq.s32 s7, s2  }
0x1e: {  	s7 =	smul.u32 @!p0 $0xF7A, s2;
	p2 =	seq.s32 @!p0 s5, $0x0  }
0x1f: {  	s9 =	smul.u32 $0xF7A, s1;
	s8 =	simm.s32 @!p0 $0x1BF5;
	p2 =	por !p2, p0  }
0x20: {  	[sflag:s8] =	ssyncset.s32 @!p0 $0xFFFFF086;
	s6 =	sadd.s32 @!p0 s3, s7;
	s7 =	simm.s32 @!p0 $0x108  }
0x21: {  	s3 =	sadd.s32 s3, s9;
	s6 =	sadd.s32 @!p0 $0x88, s6;
	s7 =	simm.s32 @p2 $0x1082  }
0x22: {  	[simem:s7], [sflag:s8] =	dma.local @!p0 [hbm:s6], $0xF7A  }
0x23: {  	s9 =	sor.u32 $0xD0000000, s2;
	s6 =	simm.s32 $0x108;
	_ =	swait.ge @!p0 [sflag:s8], $0x0  }
0x24: {  	s3 =	sadd.s32 $0x88, s3;
	s6 =	simm.s32 @!p1 $0x1082;
	[sflag:s4] =	ssyncset.s32 $0xFFFFF086  }
0x25: {  	[simem:s6], [sflag:s4] =	dma.local [hbm:s3], $0xF7A  }
0x26: {  	[smem:$0x3F95] =	sst s1;
	(tag) =	ssettag s2;
	_ =	strace s9  }
0x27: {  	s1 =	sld [smem:$0x3FA5]  }
0x28: {  	s2 =	sld [smem:$0x3FA6]  }
0x29: {  	s4 =	sld [smem:$0x3FA8]  }
0x2a: {  	p0 =	seq.s32 s5, $0x0;
	s5 =	sld [smem:$0x3FA9]  }
0x2b: {  	s6 =	sld [smem:$0x3FAA]  }
0x2c: {  	s7 =	sld [smem:$0x3FAB]  }
0x2d: {  	s3 =	simm.s32 $0x108;
	s8 =	sld [smem:$0x3FAC]  }
0x2e: {  	s3 =	simm.s32 @!p0 $0x1082;
	s9 =	sld [smem:$0x3FAD]  }
0x2f: {  	lr =	sadd.s32 s0, s3;
	s0 =	sld [smem:$0x3FA4]  }
0x30: {  	s3 =	sld [smem:$0x3FA7]  }
0x31: {  	[smem:$0x3FB0] =	sst s10  }
0x32: {  	s10 =	sld [smem:$0x3FAE];
	_ =	sdelay $0x3  }
0x33: {  	p0 =	seq.s32 s10, $0x1;
	s10 =	sld [smem:$0x3FB0];
	_ =	sdelay $0x3  }
0x34: {  	[smem:$0x3FB0] =	sst s10  }
0x35: {  	s10 =	sld [smem:$0x3FAF];
	_ =	sdelay $0x3  }
0x36: {  	p1 =	seq.s32 s10, $0x1;
	s10 =	sld [smem:$0x3FB0];
	_ =	sdelay $0x3  }
0x37: {  	[smem:$0x3FB0] =	sst s10  }
0x38: {  	s10 =	sld [smem:$0x3FB1]  }
0x39: {  	_ = 	snop;
	(pc) =	sbr.ind lr, $3  }
0x3a: {  	_ = 	snop  }
0x3b: {  	_ = 	snop  }
0x3c: {  	p2 =	seq.s32 s10, $0x1;
	s10 =	sld [smem:$0x3FB0]  }
0x3d: {  	_ =	shalt  }
0x3e: {  	_ =	shalt  }
0x3f: {  	_ =	shalt  }
0x40: {  	_ =	shalt  }
0x41: {  	_ =	shalt  }
0x42: {  	_ =	shalt  }
0x43: {  	_ =	shalt  }
0x44: {  	_ =	shalt  }
0x45: {  	_ =	shalt  }
0x46: {  	_ =	shalt  }
0x47: {  	_ =	shalt  }
0x48: {  	_ =	shalt  }
0x49: {  	_ =	shalt  }
0x4a: {  	_ =	shalt  }
0x4b: {  	_ =	shalt  }
0x4c: {  	_ =	shalt  }
0x4d: {  	_ =	shalt  }
0x4e: {  	_ =	shalt  }
0x4f: {  	_ =	shalt  }
0x50: {  	_ =	shalt  }
0x51: {  	_ =	shalt  }
0x52: {  	_ =	shalt  }
0x53: {  	_ =	shalt  }
0x54: {  	_ =	shalt  }
0x55: {  	_ =	shalt  }
0x56: {  	_ =	shalt  }
0x57: {  	_ =	shalt  }
0x58: {  	_ =	shalt  }
0x59: {  	_ =	shalt  }
0x5a: {  	_ =	shalt  }
0x5b: {  	_ =	shalt  }
0x5c: {  	_ =	shalt  }
0x5d: {  	_ =	shalt  }
0x5e: {  	_ =	shalt  }
0x5f: {  	_ =	shalt  }
0x60: {  	_ =	shalt  }
0x61: {  	_ =	shalt  }
0x62: {  	_ =	shalt  }
0x63: {  	_ =	shalt  }
0x64: {  	_ =	shalt  }
0x65: {  	_ =	shalt  }
0x66: {  	_ =	shalt  }
0x67: {  	_ =	shalt  }
0x68: {  	_ =	shalt  }
0x69: {  	_ =	shalt  }
0x6a: {  	_ =	shalt  }
0x6b: {  	_ =	shalt  }
0x6c: {  	_ =	shalt  }
0x6d: {  	_ =	shalt  }
0x6e: {  	_ =	shalt  }
0x6f: {  	_ =	shalt  }
0x70: {  	_ =	shalt  }
0x71: {  	_ =	shalt  }
0x72: {  	_ =	shalt  }
0x73: {  	_ =	shalt  }
0x74: {  	_ =	shalt  }
0x75: {  	_ =	shalt  }
0x76: {  	_ =	shalt  }
0x77: {  	_ =	shalt  }
0x78: {  	_ =	shalt  }
0x79: {  	_ =	shalt  }
0x7a: {  	_ =	shalt  }
0x7b: {  	_ =	shalt  }
0x7c: {  	_ =	shalt  }
0x7d: {  	_ =	shalt  }
0x7e: {  	_ =	shalt  }
0x7f: {  	_ =	shalt  }
0x80: {  	_ =	shalt  }
0x81: {  	_ =	shalt  }
0x82: {  	_ =	shalt  }
0x83: {  	_ =	shalt  }
0x84: {  	_ =	shalt  }
0x85: {  	_ =	shalt  }
0x86: {  	_ =	shalt  }
0x87: {  	_ =	shalt  }
.Lfunc_end0:
.L_simem_size_0:
called_computation.1_lowered:
.L_overlay_start_0:
0x88: {  	s2 =	sld [smem:$0x3FD9]  }
0x89: {  	s3 =	sld [smem:$0x3FFE];
	_ =	sdelay $0x1  }
0x8a: {  	s1 =	srdreg.scid  }
0x8b: {  	s0 =	sand.u32 $0x1, s1  }
0x8c: {  	s16 =	sshll.u32 s0, $0xA;
	s2 =	sadd.s32 s3, s2  }
0x8d: {  	s2 =	sadd.s32 s2, s16  }
0x8e: {  	[smem:$0x3FBC] =	sst s2  }
0x8f: {  	_ = 	snop  }
0x90: {  	(tm) =	ssettm $0x1  }
0x91: {  	s17 =	sld [smem:$0x3FFB];
	_ =	sdelay $0x3  }
0x92: {  	_ =	strace s17  }
0x93: {  	s2 =	sld [smem:$0x3FFC];
	_ =	sdelay $0x3  }
0x94: {  	_ =	strace s2  }
0x95: {  	s2 =	sld [smem:$0x3FFD];
	_ =	sdelay $0x3  }
0x96: {  	_ =	strace s2  }
0x97: {  	_ =	strace $0x8FFFFFFF  }
0x98: {  	s18 =	sld [smem:$0x3FDB];
	_ =	sdelay $0x1  }
0x99: {  	s19 =	simm.s32 $_scs_section_size  }
0x9a: {  	s4 =	simm.s32 $_size__tile_overlayer_lowered;
	s5 =	simm.s32 $_tile_overlayer_lowered  }
0x9b: {  	s22 =	simm.s32 $0x1BFF;
	s21 =	sshll.u32 s5, $0x1;
	s2 =	sadd.s32 s19, s18  }
0x9c: {  	s6 =	simm.s32 $0x0;
	s20 =	sshll.u32 s4, $0x1;
	s4 =	sadd.s32 s21, s2  }
0x9d: {  	[timem:s6], [sflag:s22] =	dma.local [hbm:s4], s20  }
0x9e: {  	_ =	swait.ge [sflag:s22], s20  }
0x9f: {  	s3 =	ssub.s32 $0x0, s20;
	[sflag:s22] =	ssyncset.done $0x0  }
0xa0: {  	[sflag:s22] =	ssyncadd.s32 s3;
	_ =	sdelay $0x1  }
0xa1: {  	s23 =	simm.s32 $0x1B8B  }
0xa2: {  	_ =	swait.ge [sflag:s23], $0x1  }
0xa3: {  	[sflag:s23] =	ssyncset.done $0x0  }
0xa4: {  	s25 =	simm.s32 $0x1B8E;
	s24 =	sld [smem:$0x3FFE];
	[sflag:s23] =	ssyncadd.s32 $0xFFFFFFFF  }
0xa5: {  	s26 =	simm.s32 $execute0_lowered;
	[smem:$0x3FD2] =	sst s25  }
0xa6: {  	s4 =	sshll.u32 s26, $0x1;
	_ =	strace $0x80000049;
	[dreg:$0x1] =	wrdreg $0xFFFFFFFF  }
0xa7: {  	s28 =	simm.s32 $_size_execute0_lowered;
	s2 =	sadd.s32 s2, s4;
	[dreg:$0x0] =	wrdreg $0x0  }
0xa8: {  	s4 =	sshll.u32 s28, $0x1;
	[dreg:$0x2] =	wrdreg s2  }
0xa9: {  	[dreg:$0x3] =	wrdreg s4  }
0xaa: {  	[dreg:$0x4] =	wrdreg $0xC0  }
0xab: {  	_ =	task [dreg:s6], $0x5FFFF  }
0xac: {  	[dreg:$0x1] =	wrdreg $0xFFFFFFFF  }
0xad: {  	[dreg:$0x0] =	wrdreg $0x60  }
0xae: {  	[dreg:$0x2] =	wrdreg s24  }
0xaf: {  	[dreg:$0x3] =	wrdreg $0x42000  }
0xb0: {  	[dreg:$0x4] =	wrdreg $0x9  }
0xb1: {  	_ =	task.clear_ibuf [dreg:s6], $0x5FFFF;
	_ =	strace $0x90000049  }
0xb2: {  	s29 =	simm.s32 $0x9;
	_ =	strace $0x8000004B  }
0xb3: {  	_ =	swait.ge [sflag:s29], $0x1  }
0xb4: {  	[sflag:s29] =	ssyncadd.s32 $0xFFFFFFFF  }
0xb5: {  	_ =	strace $0x9000004B  }
0xb6: {  	_ =	sfence  }
0xb7: {  	s30 =	sld [smem:$0x0];
	_ =	sdelay $0x2  }
0xb8: {  	s31 =	sshll.u32 s1, $0xD;
	s1 =	sshrl.u32 s1, $0x2  }
0xb9: {  	s3 =	sand.u32 $0x4000, s31;
	s1 =	sadd.s32 s1, s30  }
0xba: {  	s0 =	sor.u32 s3, s0;
	s1 =	sshll.u32 s1, $0x11  }
0xbb: {  	s0 =	sor.u32 s1, s0  }
0xbc: {  	s0 =	sadd.s32 $0x8F2B, s0  }
0xbd: {  	[sflag:s0] =	ssyncadd.remote.s32 $0x1  }
0xbe: {  	_ =	sfence.sel $0xFFFF  }
0xbf: {  	[dreg:$0x0] =	wrdreg $0xFFFFFFFF;
	(pc) =	sbr.abs _section_cstart, $3  }
0xc0: {  	[dreg:$0x1] =	wrdreg $0xFFFFFFFF  }
0xc1: {  	_ =	task.clear_ibuf [dreg:s6], $0x2FFFF;
	_ =	strace $0x9FFFFFFF  }
0xc2: {  	(tm) =	ssettm $0x7FFFFFFF  }
0xc3: {  	_ =	shalt  }
tec
execute0_lowered:
.L_overlay_start_1:
0x0: {  	(tag) =	ssettag $0x1  }
0x1: {  	s5 =	rddreg [dreg:$0x0]  }
0x2: {  	s2 =	rddreg [dreg:$0x1]  }
0x3: {  	s0 =	rddreg [dreg:$0x2];
	s3 =	simm.s32 $0x0  }
0x4: {  	s1 =	stileid.u32;
	s4 =	srdreg.scid;
	s19 =	simm.s32 $0x100  }
0x5: {  	s20 =	simm.s32 $0x80;
	s21 =	simm.s32 $0x200;
	s22 =	simm.s32 $0x180  }
0x6: {  	s23 =	simm.s32 $0x1;
	s24 =	simm.s32 $0x0;
	[smem:$0x7FF] =	sst s3  }
0x7: {  	s6 =	smul.u32 $0x13C00, s1;
	s7 =	sand.u32 $0x1, s4;
	s4 =	sadd.s32 $0x52E200, s5  }
0x8: {  	s16 =	sadd.s32 $0x2A00, s5;
	s15 =	sadd.s32 $0xCA00, s5;
	s26 =	smul.u32 $0x4F000, s1  }
0x9: {  	s31 =	sshll.u32 s1, $0x6;
	s14 =	smul.u32 $0x2800, s1;
	_ =	strace $0x8000004A  }
0xa: {  	s8 =	smul.u32 $0x13C000, s7;
	s28 =	ssub.s32 $0x2, s7;
	s29 =	sshll.u32 s7, $0x4  }
0xb: {  	s12 =	smul.u32 $0x28000, s7;
	s9 =	sshrl.u32 s6, $0x3;
	s11 =	sshrl.u32 s28, $0x1  }
0xc: {  	s6 =	sadd.s32 s6, s8;
	s25 =	sadd.s32 s9, s5;
	s9 =	sshrl.u32 s26, $0x2  }
0xd: {  	s11 =	ssub.s32 s28, s11;
	s12 =	sadd.s32 s14, s12;
	s6 =	sshrl.u32 s6, $0x3  }
0xe: {  	s17 =	sadd.s32 s9, s2;
	s10 =	sadd.s32 s6, s5;
	s6 =	sor.u32 s1, s29  }
0xf: {  	s14 =	sor.u32 $0x100, s12;
	s18 =	sor.u32 $0x80, s12;
	s30 =	smul.u32 $0x2800, s6  }
0x10: {  	s5 =	sadd.s32 $0x16A00, s25;
	s14 =	sshrl.u32 s14, $0x3;
	s18 =	sshrl.u32 s18, $0x3  }
0x11: {  	s17 =	sshrl.u32 s17, $0x3;
	s6 =	sor.u32 $0x1C02, s31;
	s13 =	sshrl.u32 s30, $0x3  }
0x12: {  	s7 =	sadd.s32 s16, s13;
	s8 =	sadd.s32 s15, s13;
	s13 =	sadd.s32 $0x4F0, s13  }
0x13: {  	s9 =	sadd.s32 $0x555400, s10;
	s10 =	smax.u32 s11, $0x1;
	s11 =	sadd.s32 s16, s13  }
0x14: {  	s12 =	sadd.s32 s15, s13;
	s13 =	sadd.s32 s14, s15;
	s14 =	sadd.s32 s14, s16  }
0x15: {  	s15 =	sadd.s32 s18, s15;
	s16 =	sadd.s32 s18, s16;
	s18 =	simm.s32 $0x2  }
.LBB2_1:
0x16: {  	[spmem:s17], [sflag:s6] =	dma.local [hbm:s5], $0x2780  }
0x17: {  	_ =	swait.ge [sflag:s18], $0x2780  }
0x18: {  	[sflag:s18] =	ssyncset.done $0x0  }
0x19: {  	[sflag:s18] =	ssyncadd.s32 $0xFFFFD880  }
0x1a: {  	[bflag:$0x0] =	sbarrier.arrive $0xFFFF  }
0x1b: {  	[tilespmem:s3], [sflag:$0x2] =	stream.linear.gather [hbm4b:s7+s3], $0x80, $0x38;
	[tilespmem:$0x17E00] =	vst v63  }
0x1c: {  	_ =	swait.ge [sflag:s18], $0x80  }
0x1d: {  	[sflag:s18] =	ssyncset.done $0x0  }
0x1e: {  	[sflag:s18] =	ssyncadd.s32 $0xFFFFFF80  }
0x1f: {  	[tilespmem:s19], [sflag:$0x2] =	stream.linear.gather [hbm4b:s8+s3], $0x80, $0x38;
	[tilespmem:$0x17E00] =	vst v63  }
0x20: {  	_ =	swait.ge [sflag:s18], $0x80  }
0x21: {  	[sflag:s18] =	ssyncset.done $0x0  }
0x22: {  	[sflag:s18] =	ssyncadd.s32 $0xFFFFFF80  }
0x23: {  	[tilespmem:s21], [sflag:$0x1] =	stream.indirect.gather [hbm4b:s4+s20], $0x80, s3, s20, $0xb8;
	[tilespmem:$0x17E00] =	vst v63  }
0x24: {  	s25 =	sadd.s32 $0x0, s16  }
0x25: {  	[tilespmem:s20], [sflag:$0x2] =	stream.linear.gather [hbm4b:s25+s3], $0x80, $0x38;
	[tilespmem:$0x17E00] =	vst v63  }
0x26: {  	_ =	swait.ge [sflag:s18], $0x80  }
0x27: {  	[sflag:s18] =	ssyncset.done $0x0  }
0x28: {  	s29 =	sadd.s32 $0x0, s15;
	[sflag:s18] =	ssyncadd.s32 $0xFFFFFF80  }
0x29: {  	[tilespmem:s22], [sflag:$0x2] =	stream.linear.gather [hbm4b:s29+s3], $0x80, $0x38;
	[tilespmem:$0x17E00] =	vst v63  }
0x2a: {  	_ =	swait.ge [sflag:s18], $0x80  }
0x2b: {  	[sflag:s18] =	ssyncset.done $0x0  }
0x2c: {  	[sflag:s18] =	ssyncadd.s32 $0xFFFFFF80  }
0x2d: {  	_ =	swait.ge [sflag:s23], $0x4000  }
0x2e: {  	[sflag:s23] =	ssyncset.done $0x0  }
0x2f: {  	[sflag:s23] =	ssyncadd.s32 $0xFFFFC000  }
0x30: {  	[spmem:s2] =	stream.indirect.scatter.add.f32 [tilespmem:s21], [sflag:$0x2], $0x80, s19, s20, $0xb8;
	[tilespmem:$0x17E00] =	vst v63  }
0x31: {  	_ =	swait.ge [sflag:s18], $0x4000  }
0x32: {  	[sflag:s18] =	ssyncset.done $0x0  }
0x33: {  	[sflag:s18] =	ssyncadd.s32 $0xFFFFC000  }
0x34: {  	[tilespmem:s21], [sflag:$0x1] =	stream.indirect.gather [hbm4b:s4+s20], $0x80, s20, s20, $0xb8;
	[tilespmem:$0x17E00] =	vst v63  }
0x35: {  	s30 =	sadd.s32 $0x0, s14  }
0x36: {  	[tilespmem:s3], [sflag:$0x2] =	stream.linear.gather [hbm4b:s30+s3], $0x80, $0x38;
	[tilespmem:$0x17E00] =	vst v63  }
0x37: {  	_ =	swait.ge [sflag:s18], $0x80  }
0x38: {  	[sflag:s18] =	ssyncset.done $0x0  }
0x39: {  	s31 =	sadd.s32 $0x0, s13;
	[sflag:s18] =	ssyncadd.s32 $0xFFFFFF80  }
0x3a: {  	[tilespmem:s19], [sflag:$0x2] =	stream.linear.gather [hbm4b:s31+s3], $0x80, $0x38;
	[tilespmem:$0x17E00] =	vst v63  }
0x3b: {  	_ =	swait.ge [sflag:s18], $0x80  }
0x3c: {  	[sflag:s18] =	ssyncset.done $0x0  }
0x3d: {  	[sflag:s18] =	ssyncadd.s32 $0xFFFFFF80  }
0x3e: {  	_ =	swait.ge [sflag:s23], $0x4000  }
0x3f: {  	[sflag:s23] =	ssyncset.done $0x0  }
0x40: {  	[sflag:s23] =	ssyncadd.s32 $0xFFFFC000  }
0x41: {  	[spmem:s2] =	stream.indirect.scatter.add.f32 [tilespmem:s21], [sflag:$0x2], $0x80, s22, s20, $0xb8;
	[tilespmem:$0x17E00] =	vst v63  }
0x42: {  	_ =	swait.ge [sflag:s18], $0x4000  }
0x43: {  	s25 =	simm.s32 $0x20;
	[sflag:s18] =	ssyncset.done $0x0  }
.LBB2_2:
0x44: {  	p0 =	sne.s32 s25, $0x4C0  }
0x45: {  	[sflag:s18] =	ssyncadd.s32 $0xFFFFC000;
	s26 =	smov.u32 s25;
	s25 =	sadd.s32 $0x20, s25  }
0x46: {  	[tilespmem:s21], [sflag:$0x1] =	stream.indirect.gather [hbm4b:s4+s20], $0x80, s3, s20, $0xb8;
	[tilespmem:$0x17E00] =	vst v63  }
0x47: {  	s28 =	sadd.s32 s26, s16  }
0x48: {  	[tilespmem:s20], [sflag:$0x2] =	stream.linear.gather [hbm4b:s28+s3], $0x80, $0x38;
	[tilespmem:$0x17E00] =	vst v63  }
0x49: {  	_ =	swait.ge [sflag:s18], $0x80  }
0x4a: {  	[sflag:s18] =	ssyncset.done $0x0  }
0x4b: {  	s28 =	sadd.s32 s26, s15;
	[sflag:s18] =	ssyncadd.s32 $0xFFFFFF80  }
0x4c: {  	[tilespmem:s22], [sflag:$0x2] =	stream.linear.gather [hbm4b:s28+s3], $0x80, $0x38;
	[tilespmem:$0x17E00] =	vst v63  }
0x4d: {  	_ =	swait.ge [sflag:s18], $0x80  }
0x4e: {  	[sflag:s18] =	ssyncset.done $0x0  }
0x4f: {  	[sflag:s18] =	ssyncadd.s32 $0xFFFFFF80  }
0x50: {  	_ =	swait.ge [sflag:s23], $0x4000  }
0x51: {  	[sflag:s23] =	ssyncset.done $0x0  }
0x52: {  	[sflag:s23] =	ssyncadd.s32 $0xFFFFC000  }
0x53: {  	[spmem:s2] =	stream.indirect.scatter.add.f32 [tilespmem:s21], [sflag:$0x2], $0x80, s19, s20, $0xb8;
	[tilespmem:$0x17E00] =	vst v63  }
0x54: {  	_ =	swait.ge [sflag:s18], $0x4000  }
0x55: {  	[sflag:s18] =	ssyncset.done $0x0  }
0x56: {  	[sflag:s18] =	ssyncadd.s32 $0xFFFFC000  }
0x57: {  	[tilespmem:s21], [sflag:$0x1] =	stream.indirect.gather [hbm4b:s4+s20], $0x80, s20, s20, $0xb8;
	[tilespmem:$0x17E00] =	vst v63  }
0x58: {  	s28 =	sadd.s32 s26, s14  }
0x59: {  	[tilespmem:s3], [sflag:$0x2] =	stream.linear.gather [hbm4b:s28+s3], $0x80, $0x38;
	[tilespmem:$0x17E00] =	vst v63  }
0x5a: {  	_ =	swait.ge [sflag:s18], $0x80  }
0x5b: {  	[sflag:s18] =	ssyncset.done $0x0  }
0x5c: {  	s26 =	sadd.s32 s26, s13;
	[sflag:s18] =	ssyncadd.s32 $0xFFFFFF80  }
0x5d: {  	[tilespmem:s19], [sflag:$0x2] =	stream.linear.gather [hbm4b:s26+s3], $0x80, $0x38;
	[tilespmem:$0x17E00] =	vst v63  }
0x5e: {  	_ =	swait.ge [sflag:s18], $0x80  }
0x5f: {  	[sflag:s18] =	ssyncset.done $0x0  }
0x60: {  	[sflag:s18] =	ssyncadd.s32 $0xFFFFFF80  }
0x61: {  	_ =	swait.ge [sflag:s23], $0x4000  }
.Ltmp0:
0x62: {  	[sflag:s23] =	ssyncset.done $0x0;
	(pc) =	sbr.rel @p0 .LBB2_2-.Ltmp0, $4  }
0x63: {  	[sflag:s23] =	ssyncadd.s32 $0xFFFFC000  }
0x64: {  	[spmem:s2] =	stream.indirect.scatter.add.f32 [tilespmem:s21], [sflag:$0x2], $0x80, s22, s20, $0xb8;
	[tilespmem:$0x17E00] =	vst v63  }
0x65: {  	_ =	swait.ge [sflag:s18], $0x4000  }
0x66: {  	[sflag:s18] =	ssyncset.done $0x0  }
0x67: {  	[sflag:s18] =	ssyncadd.s32 $0xFFFFC000  }
0x68: {  	[tilespmem:s21], [sflag:$0x1] =	stream.indirect.gather [hbm4b:s4+s20], $0x80, s3, s20, $0xb8;
	[tilespmem:$0x17E00] =	vst v63  }
0x69: {  	_ = 	snop  }
0x6a: {  	[tilespmem:s20], [sflag:$0x2] =	stream.linear.gather [hbm4b:s11+s3], $0x80, $0x38;
	[tilespmem:$0x17E00] =	vst v63  }
0x6b: {  	_ =	swait.ge [sflag:s18], $0x80  }
0x6c: {  	[sflag:s18] =	ssyncset.done $0x0  }
0x6d: {  	[sflag:s18] =	ssyncadd.s32 $0xFFFFFF80  }
0x6e: {  	[tilespmem:s22], [sflag:$0x2] =	stream.linear.gather [hbm4b:s12+s3], $0x80, $0x38;
	[tilespmem:$0x17E00] =	vst v63  }
0x6f: {  	_ =	swait.ge [sflag:s18], $0x80  }
0x70: {  	[sflag:s18] =	ssyncset.done $0x0  }
0x71: {  	[sflag:s18] =	ssyncadd.s32 $0xFFFFFF80  }
0x72: {  	_ =	swait.ge [sflag:s23], $0x4000  }
0x73: {  	[sflag:s23] =	ssyncset.done $0x0  }
0x74: {  	[sflag:s23] =	ssyncadd.s32 $0xFFFFC000  }
0x75: {  	[spmem:s2] =	stream.indirect.scatter.add.f32 [tilespmem:s21], [sflag:$0x2], $0x80, s19, s20, $0xb8;
	[tilespmem:$0x17E00] =	vst v63  }
0x76: {  	_ =	swait.ge [sflag:s18], $0x4000  }
0x77: {  	[sflag:s18] =	ssyncset.done $0x0  }
0x78: {  	[sflag:s18] =	ssyncadd.s32 $0xFFFFC000  }
0x79: {  	[tilespmem:s21], [sflag:$0x1] =	stream.indirect.gather [hbm4b:s4+s20], $0x80, s20, s20, $0xb8;
	[tilespmem:$0x17E00] =	vst v63  }
0x7a: {  	_ =	swait.ge [sflag:s23], $0x4000  }
0x7b: {  	[sflag:s23] =	ssyncset.done $0x0  }
0x7c: {  	[sflag:s23] =	ssyncadd.s32 $0xFFFFC000  }
0x7d: {  	[spmem:s2] =	stream.indirect.scatter.add.f32 [tilespmem:s21], [sflag:$0x2], $0x80, s22, s20, $0xb8;
	[tilespmem:$0x17E00] =	vst v63  }
0x7e: {  	_ =	swait.ge [sflag:s18], $0x4000  }
0x7f: {  	s24 =	sadd.s32 $0x1, s24;
	[sflag:s18] =	ssyncset.done $0x0  }
0x80: {  	p0 =	sne.s32 s24, s10;
	[sflag:s18] =	ssyncadd.s32 $0xFFFFC000  }
.Ltmp1:
0x81: {  	[bflag:$0x0] =	sbarrier.arrive $0xFFFF;
	(pc) =	sbr.rel @p0 .LBB2_1-.Ltmp1, $4  }
0x82: {  	[hbm:s9], [sflag:s6] =	dma.local [spmem:s17], $0x2780  }
0x83: {  	_ =	swait.ge [sflag:s18], $0x2780  }
0x84: {  	[sflag:s18] =	ssyncset.done $0x0  }
0x85: {  	[sflag:s18] =	ssyncadd.s32 $0xFFFFD880  }
0x86: {  	_ =	sfence.sel $0x180000  }
0x87: {  	[bflag:$0x0] =	sbarrier.arrive $0xFFFF  }
0x88: {  	p0 =	sne.s32 s1, $0x0;
	_ =	strace $0x9000004A  }
0x89: {  	s0 =	sadd.s32 @!p0 $0x100000, s0;
	[bflag:$0x2] =	sbarrier.arrive $0xFFFF  }
0x8a: {  	[sflag:s0] =	ssyncadd.tile.s32 @!p0 $0x1;
	_ =	shalt  }
.Lfunc_end2:
_tile_overlayer_lowered:
.L_overlay_start_2:
0x8b: {  	(tag) =	ssettag $0x2  }
0x8c: {  	s0 =	rddreg [dreg:$0x0];
	s2 =	stileid.u32  }
0x8d: {  	s1 =	rddreg [dreg:$0x1];
	p0 =	sne.s32 s2, $0x0  }
0x8e: {  	s3 =	rddreg [dreg:$0x2];
	[bflag:$0x3] =	sbarrier.arrive $0xFFFF;
	s2 =	simm.s32 @!p0 $0x1C02  }
0x8f: {  	[timem:s3], [sflag:s2] =	dma.local @!p0 [hbm:s0], s1  }
0x90: {  	s0 =	simm.s32 @!p0 $0x2  }
0x91: {  	_ =	swait.ge @!p0 [sflag:s0], s1  }
0x92: {  	s1 =	ssub.s32 @!p0 $0x0, s1;
	[sflag:s0] =	ssyncset.done @!p0 $0x0  }
0x93: {  	[sflag:s0] =	ssyncadd.s32 @!p0 s1  }
0x94: {  	[bflag:$0x3] =	sbarrier.arrive $0xFFFF  }
0x95: {  	_ =	shalt  }

</sc_bundles>
